<compile_context>
chip_gen: v7x
topology: tpu7x:2x2x1
jax: 0.10.2.dev20260603
libtpu: 0.0.44.dev20260713+nightly
codegen_flags: <defaults>
</compile_context>

<pallas_src>
import functools

import jax
import jax.numpy as jnp
from jax import lax
from jax.experimental import pallas as pl
from jax.experimental.pallas import tpu as pltpu
from jax.experimental.pallas import tpu_sc as plsc

_NC = 2
_NS = 16
_NW = _NC * _NS
_NBUF = 4


def _sc_body(ppw, nchan, hh, x_hbm, o_hbm, *refs):
    bufs = refs[:_NBUF]
    gs = refs[_NBUF : 2 * _NBUF]
    ss = refs[2 * _NBUF :]

    cid = lax.axis_index("c")
    sid = lax.axis_index("s")
    wid = sid * _NC + cid
    base = wid * (ppw // 2)

    def src_plane(r):
        return r + (nchan - 1) - 2 * lax.rem(r, nchan)

    def g_start(j, k):
        r = base + j // 2
        pltpu.async_copy(
            x_hbm.at[pl.ds(src_plane(r), 1), pl.ds((j % 2) * hh, hh)],
            bufs[k], gs[k])

    def g_wait(k):
        pltpu.make_async_copy(
            x_hbm.at[pl.ds(0, 1), pl.ds(0, hh)], bufs[k], gs[k]).wait()

    def s_start(j, k):
        pltpu.async_copy(
            bufs[k],
            o_hbm.at[pl.ds(base + j // 2, 1), pl.ds((j % 2) * hh, hh)],
            ss[k])

    def s_wait(k):
        pltpu.make_async_copy(
            bufs[k], o_hbm.at[pl.ds(base, 1), pl.ds(0, hh)], ss[k]).wait()

    g_start(0, 0)
    g_start(1, 1)

    def bodyq(q, carry):
        for k in range(_NBUF):
            j = _NBUF * q + k
            kk = (k + 2) % _NBUF

            @pl.when(j >= 2)
            def _():
                s_wait(kk)

            @pl.when(j + 2 < ppw)
            def _():
                g_start(j + 2, kk)

            g_wait(k)
            s_start(j, k)
        return carry

    lax.fori_loop(0, ppw // _NBUF, bodyq, 0)
    s_wait((ppw - 2) % _NBUF)
    s_wait((ppw - 1) % _NBUF)


def _sc_permute(x):
    B, C, H, W = x.shape
    rows = B * C
    ppw = 2 * rows // _NW
    hh = H // 2
    x3 = x.reshape(rows, H, W)

    mesh = plsc.VectorSubcoreMesh(core_axis_name="c", subcore_axis_name="s")
    run = pl.kernel(
        functools.partial(_sc_body, ppw, C, hh),
        out_type=jax.ShapeDtypeStruct((rows, H, W), x.dtype),
        mesh=mesh,
        compiler_params=pltpu.CompilerParams(use_tc_tiling_on_sc=True),
        scratch_types=[
            *[pltpu.VMEM((1, H // 2, W), jnp.float32) for _ in range(_NBUF)],
            *[pltpu.SemaphoreType.DMA for _ in range(2 * _NBUF)],
        ],
    )
    return run(x3).reshape(B, C, H, W)


def kernel(x, indices):
    C = x.shape[1]
    is_reversal = jnp.all(indices == jnp.arange(C - 1, -1, -1, dtype=indices.dtype))
    return lax.cond(
        is_reversal,
        _sc_permute,
        lambda xx: jnp.take(xx, indices, axis=1),
        x,
    )

# --- scband reference (transcript-rebuilt; emitter-appended) ---
"""Pipeline reference for scband-permutation-module-21062519620089 (READ-ONLY COPY).

The authoritative reference and input builder live on the scoring server;
editing this copy changes nothing except your own understanding.
"""

import jax, jax.numpy as jnp
import numpy as np


def setup_inputs(seed: int = 0) -> dict:
    key = jax.random.key(seed)
    x = jax.random.normal(key, (16, 96, 224, 224), dtype=jnp.float32)
    # Fixed (non-trainable) permutation over the channel dimension, as stored
    # in the module as nn.Parameter(indices, requires_grad=False).
    indices = jnp.asarray(np.arange(95, -1, -1), dtype=jnp.int32)
    return {"x": x, "indices": indices}


def reference(x, indices):
    # Faithful translation of: x = x[:, self.indices]
    # i.e. a gather along axis=1 (channel permutation). The tracker call in the
    # original module is a no-op for the computation.
    return jnp.take(x, indices, axis=1)

if __name__ == "__main__":
    import jax
    _d = setup_inputs()
    print(jax.jit(kernel)(*tuple(_d.values())))

</pallas_src>

<mosaic_0001>
#map = affine_map<(d0, d1) -> (0, 0, 0)>
module attributes {stable_mosaic.version = 14 : i64} {
  func.func @_sc_body(%arg0: i32, %arg1: i32, %arg2: memref<1536x224x224xf32, #tpu.memory_space<hbm>>, %arg3: memref<1536x224x224xf32, #tpu.memory_space<hbm>>, %arg4: memref<1x112x224xf32, #tpu.memory_space<vmem>>, %arg5: memref<1x112x224xf32, #tpu.memory_space<vmem>>, %arg6: memref<1x112x224xf32, #tpu.memory_space<vmem>>, %arg7: memref<1x112x224xf32, #tpu.memory_space<vmem>>, %arg8: memref<!tpu.dma_semaphore, #tpu.memory_space<semaphore_mem>>, %arg9: memref<!tpu.dma_semaphore, #tpu.memory_space<semaphore_mem>>, %arg10: memref<!tpu.dma_semaphore, #tpu.memory_space<semaphore_mem>>, %arg11: memref<!tpu.dma_semaphore, #tpu.memory_space<semaphore_mem>>, %arg12: memref<!tpu.dma_semaphore, #tpu.memory_space<semaphore_mem>>, %arg13: memref<!tpu.dma_semaphore, #tpu.memory_space<semaphore_mem>>, %arg14: memref<!tpu.dma_semaphore, #tpu.memory_space<semaphore_mem>>, %arg15: memref<!tpu.dma_semaphore, #tpu.memory_space<semaphore_mem>>) attributes {dimension_semantics = [#tpu.dimension_semantics<core_parallel>, #tpu.dimension_semantics<subcore_parallel>], iteration_bounds = array<i64: 2, 16>, scalar_prefetch = 0 : i64, scratch_operands = 12 : i64, tpu.core_type = #tpu.core_type<sc_vector_subcore>, window_params = [{transform_indices = #map}, {transform_indices = #map}]} {
    %mul3A = arith.constant 2 : i32
    %mul3A_0 = arith.muli %arg1, %mul3A : i32
    %add3A = arith.addi %mul3A_0, %arg0 : i32
    %mul3A_1 = arith.constant 48 : i32
    %mul3A_2 = arith.muli %add3A, %mul3A_1 : i32
    %add3A_3 = arith.constant 0 : i32
    %add3A_4 = arith.addi %mul3A_2, %add3A_3 : i32
    %add3A_5 = arith.constant 95 : i32
    %add3A_6 = arith.addi %add3A_4, %add3A_5 : i32
    %rem3A = arith.constant 96 : i32
    %rem3A_7 = arith.remsi %add3A_4, %rem3A : i32
    %mul3A_8 = arith.constant 2 : i32
    %mul3A_9 = arith.muli %mul3A_8, %rem3A_7 : i32
    %sub3A = arith.subi %add3A_6, %mul3A_9 : i32
    %dma_start3A = arith.constant 0 : i32
    %dma_start3A_10 = arith.constant 0 : i32
    %dma_start3A_11 = tpu.memref_slice %arg2[%sub3A, %dma_start3A, %dma_start3A_10] : memref<1536x224x224xf32, #tpu.memory_space<hbm>> -> memref<1x112x224xf32, #tpu.memory_space<hbm>>
    %dma_start3A_12 = arith.constant 0 : i32
    %dma_start3A_13 = arith.constant 0 : i32
    %dma_start3A_14 = tpu.memref_slice %arg2[%sub3A, %dma_start3A_12, %dma_start3A_13] : memref<1536x224x224xf32, #tpu.memory_space<hbm>> -> memref<1x112x224xf32, #tpu.memory_space<hbm>>
    tpu.enqueue_dma source(%dma_start3A_14 : memref<1x112x224xf32, #tpu.memory_space<hbm>>) target(%arg4 : memref<1x112x224xf32, #tpu.memory_space<vmem>>) target_semaphore(%arg8 : memref<!tpu.dma_semaphore, #tpu.memory_space<semaphore_mem>>)
    %add3A_15 = arith.constant 0 : i32
    %add3A_16 = arith.addi %mul3A_2, %add3A_15 : i32
    %add3A_17 = arith.constant 95 : i32
    %add3A_18 = arith.addi %add3A_16, %add3A_17 : i32
    %rem3A_19 = arith.constant 96 : i32
    %rem3A_20 = arith.remsi %add3A_16, %rem3A_19 : i32
    %mul3A_21 = arith.constant 2 : i32
    %mul3A_22 = arith.muli %mul3A_21, %rem3A_20 : i32
    %sub3A_23 = arith.subi %add3A_18, %mul3A_22 : i32
    %dma_start3A_24 = arith.constant 112 : i32
    %dma_start3A_25 = arith.constant 0 : i32
    %dma_start3A_26 = tpu.memref_slice %arg2[%sub3A_23, %dma_start3A_24, %dma_start3A_25] : memref<1536x224x224xf32, #tpu.memory_space<hbm>> -> memref<1x112x224xf32, #tpu.memory_space<hbm>>
    %dma_start3A_27 = arith.constant 112 : i32
    %dma_start3A_28 = arith.constant 0 : i32
    %dma_start3A_29 = tpu.memref_slice %arg2[%sub3A_23, %dma_start3A_27, %dma_start3A_28] : memref<1536x224x224xf32, #tpu.memory_space<hbm>> -> memref<1x112x224xf32, #tpu.memory_space<hbm>>
    tpu.enqueue_dma source(%dma_start3A_29 : memref<1x112x224xf32, #tpu.memory_space<hbm>>) target(%arg5 : memref<1x112x224xf32, #tpu.memory_space<vmem>>) target_semaphore(%arg9 : memref<!tpu.dma_semaphore, #tpu.memory_space<semaphore_mem>>)
    %scan3A = arith.constant 0 : i32
    %scan3A_30 = arith.constant 0 : i32
    %scan3A_31 = arith.constant 24 : i32
    %scan3A_32 = arith.addi %scan3A_30, %scan3A_31 : i32
    %scan3A_33 = arith.constant 1 : i32
    scf.for %scan3A_46 = %scan3A_30 to %scan3A_32 step %scan3A_33  : i32 {
      %mul3A_47 = arith.constant 4 : i32
      %mul3A_48 = arith.muli %mul3A_47, %scan3A_46 : i32
      %add3A_49 = arith.constant 0 : i32
      %add3A_50 = arith.addi %mul3A_48, %add3A_49 : i32
      %ge3A = arith.constant 2 : i32
      %ge3A_51 = arith.cmpi sge, %add3A_50, %ge3A : i32
      %convert_element_type3A = arith.extui %ge3A_51 : i1 to i32
      %cond3A = arith.constant 0 : i32
      %cond3A_52 = arith.cmpi ne, %convert_element_type3A, %cond3A : i32
      scf.if %cond3A_52 {
        %dma_wait3A_320 = arith.constant 0 : i32
        %dma_wait3A_321 = arith.constant 0 : i32
        %dma_wait3A_322 = tpu.memref_slice %arg3[%mul3A_2, %dma_wait3A_320, %dma_wait3A_321] : memref<1536x224x224xf32, #tpu.memory_space<hbm>> -> memref<1x112x224xf32, #tpu.memory_space<hbm>>
        %dma_wait3A_323 = arith.constant 0 : i32
        %dma_wait3A_324 = arith.constant 0 : i32
        %dma_wait3A_325 = tpu.memref_slice %arg3[%mul3A_2, %dma_wait3A_323, %dma_wait3A_324] : memref<1536x224x224xf32, #tpu.memory_space<hbm>> -> memref<1x112x224xf32, #tpu.memory_space<hbm>>
        tpu.wait_dma2 semaphore(%arg14 : memref<!tpu.dma_semaphore, #tpu.memory_space<semaphore_mem>>) src(%arg6 : memref<1x112x224xf32, #tpu.memory_space<vmem>>) dst(%dma_wait3A_325 : memref<1x112x224xf32, #tpu.memory_space<hbm>>)
      } else {
      }
      %add3A_53 = arith.constant 2 : i32
      %add3A_54 = arith.addi %add3A_50, %add3A_53 : i32
      %lt3A = arith.constant 96 : i32
      %lt3A_55 = arith.cmpi slt, %add3A_54, %lt3A : i32
      %convert_element_type3A_56 = arith.extui %lt3A_55 : i1 to i32
      %cond3A_57 = arith.constant 0 : i32
      %cond3A_58 = arith.cmpi ne, %convert_element_type3A_56, %cond3A_57 : i32
      scf.if %cond3A_58 {
        %add3A_320 = arith.constant 2 : i32
        %add3A_321 = arith.addi %add3A_50, %add3A_320 : i32
        %jit3A_322 = arith.constant 2 : i32
        %div3A_323 = arith.divsi %add3A_321, %jit3A_322 : i32
        %sign3A_324 = arith.constant 0 : i32
        %sign3A_325 = arith.cmpi sgt, %add3A_321, %sign3A_324 : i32
        %sign3A_326 = arith.extui %sign3A_325 : i1 to i32
        %sign3A_327 = arith.constant 0 : i32
        %sign3A_328 = arith.cmpi slt, %add3A_321, %sign3A_327 : i32
        %sign3A_329 = arith.extui %sign3A_328 : i1 to i32
        %sign3A_330 = arith.subi %sign3A_326, %sign3A_329 : i32
        %sign3A_331 = arith.constant 0 : i32
        %sign3A_332 = arith.cmpi sgt, %jit3A_322, %sign3A_331 : i32
        %sign3A_333 = arith.extui %sign3A_332 : i1 to i32
        %sign3A_334 = arith.constant 0 : i32
        %sign3A_335 = arith.cmpi slt, %jit3A_322, %sign3A_334 : i32
        %sign3A_336 = arith.extui %sign3A_335 : i1 to i32
        %sign3A_337 = arith.subi %sign3A_333, %sign3A_336 : i32
        %ne3A_338 = arith.cmpi ne, %sign3A_330, %sign3A_337 : i32
        %rem3A_339 = arith.remsi %add3A_321, %jit3A_322 : i32
        %ne3A_340 = arith.constant 0 : i32
        %ne3A_341 = arith.cmpi ne, %rem3A_339, %ne3A_340 : i32
        %and3A_342 = arith.andi %ne3A_338, %ne3A_341 : i1
        %sub3A_343 = arith.constant 1 : i32
        %sub3A_344 = arith.subi %div3A_323, %sub3A_343 : i32
        %select_n3A_345 = arith.select %and3A_342, %sub3A_344, %div3A_323 : i32
        %add3A_346 = arith.addi %mul3A_2, %select_n3A_345 : i32
        %add3A_347 = arith.constant 95 : i32
        %add3A_348 = arith.addi %add3A_346, %add3A_347 : i32
        %rem3A_349 = arith.constant 96 : i32
        %rem3A_350 = arith.remsi %add3A_346, %rem3A_349 : i32
        %mul3A_351 = arith.constant 2 : i32
        %mul3A_352 = arith.muli %mul3A_351, %rem3A_350 : i32
        %sub3A_353 = arith.subi %add3A_348, %mul3A_352 : i32
        %jit3A_354 = arith.constant 2 : i32
        %eq3A_355 = arith.constant 0 : i32
        %eq3A_356 = arith.cmpi eq, %jit3A_354, %eq3A_355 : i32
        %jit3A_357 = arith.constant 1 : i32
        %select_n3A_358 = arith.select %eq3A_356, %jit3A_357, %jit3A_354 : i32
        %rem3A_359 = arith.remsi %add3A_321, %select_n3A_358 : i32
        %ne3A_360 = arith.constant 0 : i32
        %ne3A_361 = arith.cmpi ne, %rem3A_359, %ne3A_360 : i32
        %lt3A_362 = arith.constant 0 : i32
        %lt3A_363 = arith.cmpi slt, %rem3A_359, %lt3A_362 : i32
        %lt3A_364 = arith.constant 0 : i32
        %lt3A_365 = arith.cmpi slt, %select_n3A_358, %lt3A_364 : i32
        %ne3A_366 = arith.xori %lt3A_363, %lt3A_365 : i1
        %and3A_367 = arith.andi %ne3A_366, %ne3A_361 : i1
        %add3A_368 = arith.addi %rem3A_359, %select_n3A_358 : i32
        %select_n3A_369 = arith.select %and3A_367, %add3A_368, %rem3A_359 : i32
        %mul3A_370 = arith.constant 112 : i32
        %mul3A_371 = arith.muli %select_n3A_369, %mul3A_370 : i32
        %dma_start3A_372 = arith.constant 0 : i32
        %dma_start3A_373 = tpu.memref_slice %arg2[%sub3A_353, %mul3A_371, %dma_start3A_372] : memref<1536x224x224xf32, #tpu.memory_space<hbm>> -> memref<1x112x224xf32, #tpu.memory_space<hbm>>
        %dma_start3A_374 = arith.constant 0 : i32
        %dma_start3A_375 = tpu.memref_slice %arg2[%sub3A_353, %mul3A_371, %dma_start3A_374] : memref<1536x224x224xf32, #tpu.memory_space<hbm>> -> memref<1x112x224xf32, #tpu.memory_space<hbm>>
        tpu.enqueue_dma source(%dma_start3A_375 : memref<1x112x224xf32, #tpu.memory_space<hbm>>) target(%arg6 : memref<1x112x224xf32, #tpu.memory_space<vmem>>) target_semaphore(%arg10 : memref<!tpu.dma_semaphore, #tpu.memory_space<semaphore_mem>>)
      } else {
      }
      %dma_wait3A_59 = arith.constant 0 : i32
      %dma_wait3A_60 = arith.constant 0 : i32
      %dma_wait3A_61 = arith.constant 0 : i32
      %dma_wait3A_62 = tpu.memref_slice %arg2[%dma_wait3A_59, %dma_wait3A_60, %dma_wait3A_61] : memref<1536x224x224xf32, #tpu.memory_space<hbm>> -> memref<1x112x224xf32, #tpu.memory_space<hbm>>
      %dma_wait3A_63 = arith.constant 0 : i32
      %dma_wait3A_64 = arith.constant 0 : i32
      %dma_wait3A_65 = arith.constant 0 : i32
      %dma_wait3A_66 = tpu.memref_slice %arg2[%dma_wait3A_63, %dma_wait3A_64, %dma_wait3A_65] : memref<1536x224x224xf32, #tpu.memory_space<hbm>> -> memref<1x112x224xf32, #tpu.memory_space<hbm>>
      tpu.wait_dma2 semaphore(%arg8 : memref<!tpu.dma_semaphore, #tpu.memory_space<semaphore_mem>>) src(%dma_wait3A_66 : memref<1x112x224xf32, #tpu.memory_space<hbm>>) dst(%arg4 : memref<1x112x224xf32, #tpu.memory_space<vmem>>)
      %jit3A = arith.constant 2 : i32
      %div3A = arith.divsi %add3A_50, %jit3A : i32
      %sign3A = arith.constant 0 : i32
      %sign3A_67 = arith.cmpi sgt, %add3A_50, %sign3A : i32
      %sign3A_68 = arith.extui %sign3A_67 : i1 to i32
      %sign3A_69 = arith.constant 0 : i32
      %sign3A_70 = arith.cmpi slt, %add3A_50, %sign3A_69 : i32
      %sign3A_71 = arith.extui %sign3A_70 : i1 to i32
      %sign3A_72 = arith.subi %sign3A_68, %sign3A_71 : i32
      %sign3A_73 = arith.constant 0 : i32
      %sign3A_74 = arith.cmpi sgt, %jit3A, %sign3A_73 : i32
      %sign3A_75 = arith.extui %sign3A_74 : i1 to i32
      %sign3A_76 = arith.constant 0 : i32
      %sign3A_77 = arith.cmpi slt, %jit3A, %sign3A_76 : i32
      %sign3A_78 = arith.extui %sign3A_77 : i1 to i32
      %sign3A_79 = arith.subi %sign3A_75, %sign3A_78 : i32
      %ne3A = arith.cmpi ne, %sign3A_72, %sign3A_79 : i32
      %rem3A_80 = arith.remsi %add3A_50, %jit3A : i32
      %ne3A_81 = arith.constant 0 : i32
      %ne3A_82 = arith.cmpi ne, %rem3A_80, %ne3A_81 : i32
      %and3A = arith.andi %ne3A, %ne3A_82 : i1
      %sub3A_83 = arith.constant 1 : i32
      %sub3A_84 = arith.subi %div3A, %sub3A_83 : i32
      %select_n3A = arith.select %and3A, %sub3A_84, %div3A : i32
      %add3A_85 = arith.addi %mul3A_2, %select_n3A : i32
      %jit3A_86 = arith.constant 2 : i32
      %eq3A = arith.constant 0 : i32
      %eq3A_87 = arith.cmpi eq, %jit3A_86, %eq3A : i32
      %jit3A_88 = arith.constant 1 : i32
      %select_n3A_89 = arith.select %eq3A_87, %jit3A_88, %jit3A_86 : i32
      %rem3A_90 = arith.remsi %add3A_50, %select_n3A_89 : i32
      %ne3A_91 = arith.constant 0 : i32
      %ne3A_92 = arith.cmpi ne, %rem3A_90, %ne3A_91 : i32
      %lt3A_93 = arith.constant 0 : i32
      %lt3A_94 = arith.cmpi slt, %rem3A_90, %lt3A_93 : i32
      %lt3A_95 = arith.constant 0 : i32
      %lt3A_96 = arith.cmpi slt, %select_n3A_89, %lt3A_95 : i32
      %ne3A_97 = arith.xori %lt3A_94, %lt3A_96 : i1
      %and3A_98 = arith.andi %ne3A_97, %ne3A_92 : i1
      %add3A_99 = arith.addi %rem3A_90, %select_n3A_89 : i32
      %select_n3A_100 = arith.select %and3A_98, %add3A_99, %rem3A_90 : i32
      %mul3A_101 = arith.constant 112 : i32
      %mul3A_102 = arith.muli %select_n3A_100, %mul3A_101 : i32
      %dma_start3A_103 = arith.constant 0 : i32
      %dma_start3A_104 = tpu.memref_slice %arg3[%add3A_85, %mul3A_102, %dma_start3A_103] : memref<1536x224x224xf32, #tpu.memory_space<hbm>> -> memref<1x112x224xf32, #tpu.memory_space<hbm>>
      %dma_start3A_105 = arith.constant 0 : i32
      %dma_start3A_106 = tpu.memref_slice %arg3[%add3A_85, %mul3A_102, %dma_start3A_105] : memref<1536x224x224xf32, #tpu.memory_space<hbm>> -> memref<1x112x224xf32, #tpu.memory_space<hbm>>
      tpu.enqueue_dma source(%arg4 : memref<1x112x224xf32, #tpu.memory_space<vmem>>) target(%dma_start3A_106 : memref<1x112x224xf32, #tpu.memory_space<hbm>>) target_semaphore(%arg12 : memref<!tpu.dma_semaphore, #tpu.memory_space<semaphore_mem>>)
      %mul3A_107 = arith.constant 4 : i32
      %mul3A_108 = arith.muli %mul3A_107, %scan3A_46 : i32
      %add3A_109 = arith.constant 1 : i32
      %add3A_110 = arith.addi %mul3A_108, %add3A_109 : i32
      %ge3A_111 = arith.constant 2 : i32
      %ge3A_112 = arith.cmpi sge, %add3A_110, %ge3A_111 : i32
      %convert_element_type3A_113 = arith.extui %ge3A_112 : i1 to i32
      %cond3A_114 = arith.constant 0 : i32
      %cond3A_115 = arith.cmpi ne, %convert_element_type3A_113, %cond3A_114 : i32
      scf.if %cond3A_115 {
        %dma_wait3A_320 = arith.constant 0 : i32
        %dma_wait3A_321 = arith.constant 0 : i32
        %dma_wait3A_322 = tpu.memref_slice %arg3[%mul3A_2, %dma_wait3A_320, %dma_wait3A_321] : memref<1536x224x224xf32, #tpu.memory_space<hbm>> -> memref<1x112x224xf32, #tpu.memory_space<hbm>>
        %dma_wait3A_323 = arith.constant 0 : i32
        %dma_wait3A_324 = arith.constant 0 : i32
        %dma_wait3A_325 = tpu.memref_slice %arg3[%mul3A_2, %dma_wait3A_323, %dma_wait3A_324] : memref<1536x224x224xf32, #tpu.memory_space<hbm>> -> memref<1x112x224xf32, #tpu.memory_space<hbm>>
        tpu.wait_dma2 semaphore(%arg15 : memref<!tpu.dma_semaphore, #tpu.memory_space<semaphore_mem>>) src(%arg7 : memref<1x112x224xf32, #tpu.memory_space<vmem>>) dst(%dma_wait3A_325 : memref<1x112x224xf32, #tpu.memory_space<hbm>>)
      } else {
      }
      %add3A_116 = arith.constant 2 : i32
      %add3A_117 = arith.addi %add3A_110, %add3A_116 : i32
      %lt3A_118 = arith.constant 96 : i32
      %lt3A_119 = arith.cmpi slt, %add3A_117, %lt3A_118 : i32
      %convert_element_type3A_120 = arith.extui %lt3A_119 : i1 to i32
      %cond3A_121 = arith.constant 0 : i32
      %cond3A_122 = arith.cmpi ne, %convert_element_type3A_120, %cond3A_121 : i32
      scf.if %cond3A_122 {
        %add3A_320 = arith.constant 2 : i32
        %add3A_321 = arith.addi %add3A_110, %add3A_320 : i32
        %jit3A_322 = arith.constant 2 : i32
        %div3A_323 = arith.divsi %add3A_321, %jit3A_322 : i32
        %sign3A_324 = arith.constant 0 : i32
        %sign3A_325 = arith.cmpi sgt, %add3A_321, %sign3A_324 : i32
        %sign3A_326 = arith.extui %sign3A_325 : i1 to i32
        %sign3A_327 = arith.constant 0 : i32
        %sign3A_328 = arith.cmpi slt, %add3A_321, %sign3A_327 : i32
        %sign3A_329 = arith.extui %sign3A_328 : i1 to i32
        %sign3A_330 = arith.subi %sign3A_326, %sign3A_329 : i32
        %sign3A_331 = arith.constant 0 : i32
        %sign3A_332 = arith.cmpi sgt, %jit3A_322, %sign3A_331 : i32
        %sign3A_333 = arith.extui %sign3A_332 : i1 to i32
        %sign3A_334 = arith.constant 0 : i32
        %sign3A_335 = arith.cmpi slt, %jit3A_322, %sign3A_334 : i32
        %sign3A_336 = arith.extui %sign3A_335 : i1 to i32
        %sign3A_337 = arith.subi %sign3A_333, %sign3A_336 : i32
        %ne3A_338 = arith.cmpi ne, %sign3A_330, %sign3A_337 : i32
        %rem3A_339 = arith.remsi %add3A_321, %jit3A_322 : i32
        %ne3A_340 = arith.constant 0 : i32
        %ne3A_341 = arith.cmpi ne, %rem3A_339, %ne3A_340 : i32
        %and3A_342 = arith.andi %ne3A_338, %ne3A_341 : i1
        %sub3A_343 = arith.constant 1 : i32
        %sub3A_344 = arith.subi %div3A_323, %sub3A_343 : i32
        %select_n3A_345 = arith.select %and3A_342, %sub3A_344, %div3A_323 : i32
        %add3A_346 = arith.addi %mul3A_2, %select_n3A_345 : i32
        %add3A_347 = arith.constant 95 : i32
        %add3A_348 = arith.addi %add3A_346, %add3A_347 : i32
        %rem3A_349 = arith.constant 96 : i32
        %rem3A_350 = arith.remsi %add3A_346, %rem3A_349 : i32
        %mul3A_351 = arith.constant 2 : i32
        %mul3A_352 = arith.muli %mul3A_351, %rem3A_350 : i32
        %sub3A_353 = arith.subi %add3A_348, %mul3A_352 : i32
        %jit3A_354 = arith.constant 2 : i32
        %eq3A_355 = arith.constant 0 : i32
        %eq3A_356 = arith.cmpi eq, %jit3A_354, %eq3A_355 : i32
        %jit3A_357 = arith.constant 1 : i32
        %select_n3A_358 = arith.select %eq3A_356, %jit3A_357, %jit3A_354 : i32
        %rem3A_359 = arith.remsi %add3A_321, %select_n3A_358 : i32
        %ne3A_360 = arith.constant 0 : i32
        %ne3A_361 = arith.cmpi ne, %rem3A_359, %ne3A_360 : i32
        %lt3A_362 = arith.constant 0 : i32
        %lt3A_363 = arith.cmpi slt, %rem3A_359, %lt3A_362 : i32
        %lt3A_364 = arith.constant 0 : i32
        %lt3A_365 = arith.cmpi slt, %select_n3A_358, %lt3A_364 : i32
        %ne3A_366 = arith.xori %lt3A_363, %lt3A_365 : i1
        %and3A_367 = arith.andi %ne3A_366, %ne3A_361 : i1
        %add3A_368 = arith.addi %rem3A_359, %select_n3A_358 : i32
        %select_n3A_369 = arith.select %and3A_367, %add3A_368, %rem3A_359 : i32
        %mul3A_370 = arith.constant 112 : i32
        %mul3A_371 = arith.muli %select_n3A_369, %mul3A_370 : i32
        %dma_start3A_372 = arith.constant 0 : i32
        %dma_start3A_373 = tpu.memref_slice %arg2[%sub3A_353, %mul3A_371, %dma_start3A_372] : memref<1536x224x224xf32, #tpu.memory_space<hbm>> -> memref<1x112x224xf32, #tpu.memory_space<hbm>>
        %dma_start3A_374 = arith.constant 0 : i32
        %dma_start3A_375 = tpu.memref_slice %arg2[%sub3A_353, %mul3A_371, %dma_start3A_374] : memref<1536x224x224xf32, #tpu.memory_space<hbm>> -> memref<1x112x224xf32, #tpu.memory_space<hbm>>
        tpu.enqueue_dma source(%dma_start3A_375 : memref<1x112x224xf32, #tpu.memory_space<hbm>>) target(%arg7 : memref<1x112x224xf32, #tpu.memory_space<vmem>>) target_semaphore(%arg11 : memref<!tpu.dma_semaphore, #tpu.memory_space<semaphore_mem>>)
      } else {
      }
      %dma_wait3A_123 = arith.constant 0 : i32
      %dma_wait3A_124 = arith.constant 0 : i32
      %dma_wait3A_125 = arith.constant 0 : i32
      %dma_wait3A_126 = tpu.memref_slice %arg2[%dma_wait3A_123, %dma_wait3A_124, %dma_wait3A_125] : memref<1536x224x224xf32, #tpu.memory_space<hbm>> -> memref<1x112x224xf32, #tpu.memory_space<hbm>>
      %dma_wait3A_127 = arith.constant 0 : i32
      %dma_wait3A_128 = arith.constant 0 : i32
      %dma_wait3A_129 = arith.constant 0 : i32
      %dma_wait3A_130 = tpu.memref_slice %arg2[%dma_wait3A_127, %dma_wait3A_128, %dma_wait3A_129] : memref<1536x224x224xf32, #tpu.memory_space<hbm>> -> memref<1x112x224xf32, #tpu.memory_space<hbm>>
      tpu.wait_dma2 semaphore(%arg9 : memref<!tpu.dma_semaphore, #tpu.memory_space<semaphore_mem>>) src(%dma_wait3A_130 : memref<1x112x224xf32, #tpu.memory_space<hbm>>) dst(%arg5 : memref<1x112x224xf32, #tpu.memory_space<vmem>>)
      %jit3A_131 = arith.constant 2 : i32
      %div3A_132 = arith.divsi %add3A_110, %jit3A_131 : i32
      %sign3A_133 = arith.constant 0 : i32
      %sign3A_134 = arith.cmpi sgt, %add3A_110, %sign3A_133 : i32
      %sign3A_135 = arith.extui %sign3A_134 : i1 to i32
      %sign3A_136 = arith.constant 0 : i32
      %sign3A_137 = arith.cmpi slt, %add3A_110, %sign3A_136 : i32
      %sign3A_138 = arith.extui %sign3A_137 : i1 to i32
      %sign3A_139 = arith.subi %sign3A_135, %sign3A_138 : i32
      %sign3A_140 = arith.constant 0 : i32
      %sign3A_141 = arith.cmpi sgt, %jit3A_131, %sign3A_140 : i32
      %sign3A_142 = arith.extui %sign3A_141 : i1 to i32
      %sign3A_143 = arith.constant 0 : i32
      %sign3A_144 = arith.cmpi slt, %jit3A_131, %sign3A_143 : i32
      %sign3A_145 = arith.extui %sign3A_144 : i1 to i32
      %sign3A_146 = arith.subi %sign3A_142, %sign3A_145 : i32
      %ne3A_147 = arith.cmpi ne, %sign3A_139, %sign3A_146 : i32
      %rem3A_148 = arith.remsi %add3A_110, %jit3A_131 : i32
      %ne3A_149 = arith.constant 0 : i32
      %ne3A_150 = arith.cmpi ne, %rem3A_148, %ne3A_149 : i32
      %and3A_151 = arith.andi %ne3A_147, %ne3A_150 : i1
      %sub3A_152 = arith.constant 1 : i32
      %sub3A_153 = arith.subi %div3A_132, %sub3A_152 : i32
      %select_n3A_154 = arith.select %and3A_151, %sub3A_153, %div3A_132 : i32
      %add3A_155 = arith.addi %mul3A_2, %select_n3A_154 : i32
      %jit3A_156 = arith.constant 2 : i32
      %eq3A_157 = arith.constant 0 : i32
      %eq3A_158 = arith.cmpi eq, %jit3A_156, %eq3A_157 : i32
      %jit3A_159 = arith.constant 1 : i32
      %select_n3A_160 = arith.select %eq3A_158, %jit3A_159, %jit3A_156 : i32
      %rem3A_161 = arith.remsi %add3A_110, %select_n3A_160 : i32
      %ne3A_162 = arith.constant 0 : i32
      %ne3A_163 = arith.cmpi ne, %rem3A_161, %ne3A_162 : i32
      %lt3A_164 = arith.constant 0 : i32
      %lt3A_165 = arith.cmpi slt, %rem3A_161, %lt3A_164 : i32
      %lt3A_166 = arith.constant 0 : i32
      %lt3A_167 = arith.cmpi slt, %select_n3A_160, %lt3A_166 : i32
      %ne3A_168 = arith.xori %lt3A_165, %lt3A_167 : i1
      %and3A_169 = arith.andi %ne3A_168, %ne3A_163 : i1
      %add3A_170 = arith.addi %rem3A_161, %select_n3A_160 : i32
      %select_n3A_171 = arith.select %and3A_169, %add3A_170, %rem3A_161 : i32
      %mul3A_172 = arith.constant 112 : i32
      %mul3A_173 = arith.muli %select_n3A_171, %mul3A_172 : i32
      %dma_start3A_174 = arith.constant 0 : i32
      %dma_start3A_175 = tpu.memref_slice %arg3[%add3A_155, %mul3A_173, %dma_start3A_174] : memref<1536x224x224xf32, #tpu.memory_space<hbm>> -> memref<1x112x224xf32, #tpu.memory_space<hbm>>
      %dma_start3A_176 = arith.constant 0 : i32
      %dma_start3A_177 = tpu.memref_slice %arg3[%add3A_155, %mul3A_173, %dma_start3A_176] : memref<1536x224x224xf32, #tpu.memory_space<hbm>> -> memref<1x112x224xf32, #tpu.memory_space<hbm>>
      tpu.enqueue_dma source(%arg5 : memref<1x112x224xf32, #tpu.memory_space<vmem>>) target(%dma_start3A_177 : memref<1x112x224xf32, #tpu.memory_space<hbm>>) target_semaphore(%arg13 : memref<!tpu.dma_semaphore, #tpu.memory_space<semaphore_mem>>)
      %mul3A_178 = arith.constant 4 : i32
      %mul3A_179 = arith.muli %mul3A_178, %scan3A_46 : i32
      %add3A_180 = arith.constant 2 : i32
      %add3A_181 = arith.addi %mul3A_179, %add3A_180 : i32
      %ge3A_182 = arith.constant 2 : i32
      %ge3A_183 = arith.cmpi sge, %add3A_181, %ge3A_182 : i32
      %convert_element_type3A_184 = arith.extui %ge3A_183 : i1 to i32
      %cond3A_185 = arith.constant 0 : i32
      %cond3A_186 = arith.cmpi ne, %convert_element_type3A_184, %cond3A_185 : i32
      scf.if %cond3A_186 {
        %dma_wait3A_320 = arith.constant 0 : i32
        %dma_wait3A_321 = arith.constant 0 : i32
        %dma_wait3A_322 = tpu.memref_slice %arg3[%mul3A_2, %dma_wait3A_320, %dma_wait3A_321] : memref<1536x224x224xf32, #tpu.memory_space<hbm>> -> memref<1x112x224xf32, #tpu.memory_space<hbm>>
        %dma_wait3A_323 = arith.constant 0 : i32
        %dma_wait3A_324 = arith.constant 0 : i32
        %dma_wait3A_325 = tpu.memref_slice %arg3[%mul3A_2, %dma_wait3A_323, %dma_wait3A_324] : memref<1536x224x224xf32, #tpu.memory_space<hbm>> -> memref<1x112x224xf32, #tpu.memory_space<hbm>>
        tpu.wait_dma2 semaphore(%arg12 : memref<!tpu.dma_semaphore, #tpu.memory_space<semaphore_mem>>) src(%arg4 : memref<1x112x224xf32, #tpu.memory_space<vmem>>) dst(%dma_wait3A_325 : memref<1x112x224xf32, #tpu.memory_space<hbm>>)
      } else {
      }
      %add3A_187 = arith.constant 2 : i32
      %add3A_188 = arith.addi %add3A_181, %add3A_187 : i32
      %lt3A_189 = arith.constant 96 : i32
      %lt3A_190 = arith.cmpi slt, %add3A_188, %lt3A_189 : i32
      %convert_element_type3A_191 = arith.extui %lt3A_190 : i1 to i32
      %cond3A_192 = arith.constant 0 : i32
      %cond3A_193 = arith.cmpi ne, %convert_element_type3A_191, %cond3A_192 : i32
      scf.if %cond3A_193 {
        %add3A_320 = arith.constant 2 : i32
        %add3A_321 = arith.addi %add3A_181, %add3A_320 : i32
        %jit3A_322 = arith.constant 2 : i32
        %div3A_323 = arith.divsi %add3A_321, %jit3A_322 : i32
        %sign3A_324 = arith.constant 0 : i32
        %sign3A_325 = arith.cmpi sgt, %add3A_321, %sign3A_324 : i32
        %sign3A_326 = arith.extui %sign3A_325 : i1 to i32
        %sign3A_327 = arith.constant 0 : i32
        %sign3A_328 = arith.cmpi slt, %add3A_321, %sign3A_327 : i32
        %sign3A_329 = arith.extui %sign3A_328 : i1 to i32
        %sign3A_330 = arith.subi %sign3A_326, %sign3A_329 : i32
        %sign3A_331 = arith.constant 0 : i32
        %sign3A_332 = arith.cmpi sgt, %jit3A_322, %sign3A_331 : i32
        %sign3A_333 = arith.extui %sign3A_332 : i1 to i32
        %sign3A_334 = arith.constant 0 : i32
        %sign3A_335 = arith.cmpi slt, %jit3A_322, %sign3A_334 : i32
        %sign3A_336 = arith.extui %sign3A_335 : i1 to i32
        %sign3A_337 = arith.subi %sign3A_333, %sign3A_336 : i32
        %ne3A_338 = arith.cmpi ne, %sign3A_330, %sign3A_337 : i32
        %rem3A_339 = arith.remsi %add3A_321, %jit3A_322 : i32
        %ne3A_340 = arith.constant 0 : i32
        %ne3A_341 = arith.cmpi ne, %rem3A_339, %ne3A_340 : i32
        %and3A_342 = arith.andi %ne3A_338, %ne3A_341 : i1
        %sub3A_343 = arith.constant 1 : i32
        %sub3A_344 = arith.subi %div3A_323, %sub3A_343 : i32
        %select_n3A_345 = arith.select %and3A_342, %sub3A_344, %div3A_323 : i32
        %add3A_346 = arith.addi %mul3A_2, %select_n3A_345 : i32
        %add3A_347 = arith.constant 95 : i32
        %add3A_348 = arith.addi %add3A_346, %add3A_347 : i32
        %rem3A_349 = arith.constant 96 : i32
        %rem3A_350 = arith.remsi %add3A_346, %rem3A_349 : i32
        %mul3A_351 = arith.constant 2 : i32
        %mul3A_352 = arith.muli %mul3A_351, %rem3A_350 : i32
        %sub3A_353 = arith.subi %add3A_348, %mul3A_352 : i32
        %jit3A_354 = arith.constant 2 : i32
        %eq3A_355 = arith.constant 0 : i32
        %eq3A_356 = arith.cmpi eq, %jit3A_354, %eq3A_355 : i32
        %jit3A_357 = arith.constant 1 : i32
        %select_n3A_358 = arith.select %eq3A_356, %jit3A_357, %jit3A_354 : i32
        %rem3A_359 = arith.remsi %add3A_321, %select_n3A_358 : i32
        %ne3A_360 = arith.constant 0 : i32
        %ne3A_361 = arith.cmpi ne, %rem3A_359, %ne3A_360 : i32
        %lt3A_362 = arith.constant 0 : i32
        %lt3A_363 = arith.cmpi slt, %rem3A_359, %lt3A_362 : i32
        %lt3A_364 = arith.constant 0 : i32
        %lt3A_365 = arith.cmpi slt, %select_n3A_358, %lt3A_364 : i32
        %ne3A_366 = arith.xori %lt3A_363, %lt3A_365 : i1
        %and3A_367 = arith.andi %ne3A_366, %ne3A_361 : i1
        %add3A_368 = arith.addi %rem3A_359, %select_n3A_358 : i32
        %select_n3A_369 = arith.select %and3A_367, %add3A_368, %rem3A_359 : i32
        %mul3A_370 = arith.constant 112 : i32
        %mul3A_371 = arith.muli %select_n3A_369, %mul3A_370 : i32
        %dma_start3A_372 = arith.constant 0 : i32
        %dma_start3A_373 = tpu.memref_slice %arg2[%sub3A_353, %mul3A_371, %dma_start3A_372] : memref<1536x224x224xf32, #tpu.memory_space<hbm>> -> memref<1x112x224xf32, #tpu.memory_space<hbm>>
        %dma_start3A_374 = arith.constant 0 : i32
        %dma_start3A_375 = tpu.memref_slice %arg2[%sub3A_353, %mul3A_371, %dma_start3A_374] : memref<1536x224x224xf32, #tpu.memory_space<hbm>> -> memref<1x112x224xf32, #tpu.memory_space<hbm>>
        tpu.enqueue_dma source(%dma_start3A_375 : memref<1x112x224xf32, #tpu.memory_space<hbm>>) target(%arg4 : memref<1x112x224xf32, #tpu.memory_space<vmem>>) target_semaphore(%arg8 : memref<!tpu.dma_semaphore, #tpu.memory_space<semaphore_mem>>)
      } else {
      }
      %dma_wait3A_194 = arith.constant 0 : i32
      %dma_wait3A_195 = arith.constant 0 : i32
      %dma_wait3A_196 = arith.constant 0 : i32
      %dma_wait3A_197 = tpu.memref_slice %arg2[%dma_wait3A_194, %dma_wait3A_195, %dma_wait3A_196] : memref<1536x224x224xf32, #tpu.memory_space<hbm>> -> memref<1x112x224xf32, #tpu.memory_space<hbm>>
      %dma_wait3A_198 = arith.constant 0 : i32
      %dma_wait3A_199 = arith.constant 0 : i32
      %dma_wait3A_200 = arith.constant 0 : i32
      %dma_wait3A_201 = tpu.memref_slice %arg2[%dma_wait3A_198, %dma_wait3A_199, %dma_wait3A_200] : memref<1536x224x224xf32, #tpu.memory_space<hbm>> -> memref<1x112x224xf32, #tpu.memory_space<hbm>>
      tpu.wait_dma2 semaphore(%arg10 : memref<!tpu.dma_semaphore, #tpu.memory_space<semaphore_mem>>) src(%dma_wait3A_201 : memref<1x112x224xf32, #tpu.memory_space<hbm>>) dst(%arg6 : memref<1x112x224xf32, #tpu.memory_space<vmem>>)
      %jit3A_202 = arith.constant 2 : i32
      %div3A_203 = arith.divsi %add3A_181, %jit3A_202 : i32
      %sign3A_204 = arith.constant 0 : i32
      %sign3A_205 = arith.cmpi sgt, %add3A_181, %sign3A_204 : i32
      %sign3A_206 = arith.extui %sign3A_205 : i1 to i32
      %sign3A_207 = arith.constant 0 : i32
      %sign3A_208 = arith.cmpi slt, %add3A_181, %sign3A_207 : i32
      %sign3A_209 = arith.extui %sign3A_208 : i1 to i32
      %sign3A_210 = arith.subi %sign3A_206, %sign3A_209 : i32
      %sign3A_211 = arith.constant 0 : i32
      %sign3A_212 = arith.cmpi sgt, %jit3A_202, %sign3A_211 : i32
      %sign3A_213 = arith.extui %sign3A_212 : i1 to i32
      %sign3A_214 = arith.constant 0 : i32
      %sign3A_215 = arith.cmpi slt, %jit3A_202, %sign3A_214 : i32
      %sign3A_216 = arith.extui %sign3A_215 : i1 to i32
      %sign3A_217 = arith.subi %sign3A_213, %sign3A_216 : i32
      %ne3A_218 = arith.cmpi ne, %sign3A_210, %sign3A_217 : i32
      %rem3A_219 = arith.remsi %add3A_181, %jit3A_202 : i32
      %ne3A_220 = arith.constant 0 : i32
      %ne3A_221 = arith.cmpi ne, %rem3A_219, %ne3A_220 : i32
      %and3A_222 = arith.andi %ne3A_218, %ne3A_221 : i1
      %sub3A_223 = arith.constant 1 : i32
      %sub3A_224 = arith.subi %div3A_203, %sub3A_223 : i32
      %select_n3A_225 = arith.select %and3A_222, %sub3A_224, %div3A_203 : i32
      %add3A_226 = arith.addi %mul3A_2, %select_n3A_225 : i32
      %jit3A_227 = arith.constant 2 : i32
      %eq3A_228 = arith.constant 0 : i32
      %eq3A_229 = arith.cmpi eq, %jit3A_227, %eq3A_228 : i32
      %jit3A_230 = arith.constant 1 : i32
      %select_n3A_231 = arith.select %eq3A_229, %jit3A_230, %jit3A_227 : i32
      %rem3A_232 = arith.remsi %add3A_181, %select_n3A_231 : i32
      %ne3A_233 = arith.constant 0 : i32
      %ne3A_234 = arith.cmpi ne, %rem3A_232, %ne3A_233 : i32
      %lt3A_235 = arith.constant 0 : i32
      %lt3A_236 = arith.cmpi slt, %rem3A_232, %lt3A_235 : i32
      %lt3A_237 = arith.constant 0 : i32
      %lt3A_238 = arith.cmpi slt, %select_n3A_231, %lt3A_237 : i32
      %ne3A_239 = arith.xori %lt3A_236, %lt3A_238 : i1
      %and3A_240 = arith.andi %ne3A_239, %ne3A_234 : i1
      %add3A_241 = arith.addi %rem3A_232, %select_n3A_231 : i32
      %select_n3A_242 = arith.select %and3A_240, %add3A_241, %rem3A_232 : i32
      %mul3A_243 = arith.constant 112 : i32
      %mul3A_244 = arith.muli %select_n3A_242, %mul3A_243 : i32
      %dma_start3A_245 = arith.constant 0 : i32
      %dma_start3A_246 = tpu.memref_slice %arg3[%add3A_226, %mul3A_244, %dma_start3A_245] : memref<1536x224x224xf32, #tpu.memory_space<hbm>> -> memref<1x112x224xf32, #tpu.memory_space<hbm>>
      %dma_start3A_247 = arith.constant 0 : i32
      %dma_start3A_248 = tpu.memref_slice %arg3[%add3A_226, %mul3A_244, %dma_start3A_247] : memref<1536x224x224xf32, #tpu.memory_space<hbm>> -> memref<1x112x224xf32, #tpu.memory_space<hbm>>
      tpu.enqueue_dma source(%arg6 : memref<1x112x224xf32, #tpu.memory_space<vmem>>) target(%dma_start3A_248 : memref<1x112x224xf32, #tpu.memory_space<hbm>>) target_semaphore(%arg14 : memref<!tpu.dma_semaphore, #tpu.memory_space<semaphore_mem>>)
      %mul3A_249 = arith.constant 4 : i32
      %mul3A_250 = arith.muli %mul3A_249, %scan3A_46 : i32
      %add3A_251 = arith.constant 3 : i32
      %add3A_252 = arith.addi %mul3A_250, %add3A_251 : i32
      %ge3A_253 = arith.constant 2 : i32
      %ge3A_254 = arith.cmpi sge, %add3A_252, %ge3A_253 : i32
      %convert_element_type3A_255 = arith.extui %ge3A_254 : i1 to i32
      %cond3A_256 = arith.constant 0 : i32
      %cond3A_257 = arith.cmpi ne, %convert_element_type3A_255, %cond3A_256 : i32
      scf.if %cond3A_257 {
        %dma_wait3A_320 = arith.constant 0 : i32
        %dma_wait3A_321 = arith.constant 0 : i32
        %dma_wait3A_322 = tpu.memref_slice %arg3[%mul3A_2, %dma_wait3A_320, %dma_wait3A_321] : memref<1536x224x224xf32, #tpu.memory_space<hbm>> -> memref<1x112x224xf32, #tpu.memory_space<hbm>>
        %dma_wait3A_323 = arith.constant 0 : i32
        %dma_wait3A_324 = arith.constant 0 : i32
        %dma_wait3A_325 = tpu.memref_slice %arg3[%mul3A_2, %dma_wait3A_323, %dma_wait3A_324] : memref<1536x224x224xf32, #tpu.memory_space<hbm>> -> memref<1x112x224xf32, #tpu.memory_space<hbm>>
        tpu.wait_dma2 semaphore(%arg13 : memref<!tpu.dma_semaphore, #tpu.memory_space<semaphore_mem>>) src(%arg5 : memref<1x112x224xf32, #tpu.memory_space<vmem>>) dst(%dma_wait3A_325 : memref<1x112x224xf32, #tpu.memory_space<hbm>>)
      } else {
      }
      %add3A_258 = arith.constant 2 : i32
      %add3A_259 = arith.addi %add3A_252, %add3A_258 : i32
      %lt3A_260 = arith.constant 96 : i32
      %lt3A_261 = arith.cmpi slt, %add3A_259, %lt3A_260 : i32
      %convert_element_type3A_262 = arith.extui %lt3A_261 : i1 to i32
      %cond3A_263 = arith.constant 0 : i32
      %cond3A_264 = arith.cmpi ne, %convert_element_type3A_262, %cond3A_263 : i32
      scf.if %cond3A_264 {
        %add3A_320 = arith.constant 2 : i32
        %add3A_321 = arith.addi %add3A_252, %add3A_320 : i32
        %jit3A_322 = arith.constant 2 : i32
        %div3A_323 = arith.divsi %add3A_321, %jit3A_322 : i32
        %sign3A_324 = arith.constant 0 : i32
        %sign3A_325 = arith.cmpi sgt, %add3A_321, %sign3A_324 : i32
        %sign3A_326 = arith.extui %sign3A_325 : i1 to i32
        %sign3A_327 = arith.constant 0 : i32
        %sign3A_328 = arith.cmpi slt, %add3A_321, %sign3A_327 : i32
        %sign3A_329 = arith.extui %sign3A_328 : i1 to i32
        %sign3A_330 = arith.subi %sign3A_326, %sign3A_329 : i32
        %sign3A_331 = arith.constant 0 : i32
        %sign3A_332 = arith.cmpi sgt, %jit3A_322, %sign3A_331 : i32
        %sign3A_333 = arith.extui %sign3A_332 : i1 to i32
        %sign3A_334 = arith.constant 0 : i32
        %sign3A_335 = arith.cmpi slt, %jit3A_322, %sign3A_334 : i32
        %sign3A_336 = arith.extui %sign3A_335 : i1 to i32
        %sign3A_337 = arith.subi %sign3A_333, %sign3A_336 : i32
        %ne3A_338 = arith.cmpi ne, %sign3A_330, %sign3A_337 : i32
        %rem3A_339 = arith.remsi %add3A_321, %jit3A_322 : i32
        %ne3A_340 = arith.constant 0 : i32
        %ne3A_341 = arith.cmpi ne, %rem3A_339, %ne3A_340 : i32
        %and3A_342 = arith.andi %ne3A_338, %ne3A_341 : i1
        %sub3A_343 = arith.constant 1 : i32
        %sub3A_344 = arith.subi %div3A_323, %sub3A_343 : i32
        %select_n3A_345 = arith.select %and3A_342, %sub3A_344, %div3A_323 : i32
        %add3A_346 = arith.addi %mul3A_2, %select_n3A_345 : i32
        %add3A_347 = arith.constant 95 : i32
        %add3A_348 = arith.addi %add3A_346, %add3A_347 : i32
        %rem3A_349 = arith.constant 96 : i32
        %rem3A_350 = arith.remsi %add3A_346, %rem3A_349 : i32
        %mul3A_351 = arith.constant 2 : i32
        %mul3A_352 = arith.muli %mul3A_351, %rem3A_350 : i32
        %sub3A_353 = arith.subi %add3A_348, %mul3A_352 : i32
        %jit3A_354 = arith.constant 2 : i32
        %eq3A_355 = arith.constant 0 : i32
        %eq3A_356 = arith.cmpi eq, %jit3A_354, %eq3A_355 : i32
        %jit3A_357 = arith.constant 1 : i32
        %select_n3A_358 = arith.select %eq3A_356, %jit3A_357, %jit3A_354 : i32
        %rem3A_359 = arith.remsi %add3A_321, %select_n3A_358 : i32
        %ne3A_360 = arith.constant 0 : i32
        %ne3A_361 = arith.cmpi ne, %rem3A_359, %ne3A_360 : i32
        %lt3A_362 = arith.constant 0 : i32
        %lt3A_363 = arith.cmpi slt, %rem3A_359, %lt3A_362 : i32
        %lt3A_364 = arith.constant 0 : i32
        %lt3A_365 = arith.cmpi slt, %select_n3A_358, %lt3A_364 : i32
        %ne3A_366 = arith.xori %lt3A_363, %lt3A_365 : i1
        %and3A_367 = arith.andi %ne3A_366, %ne3A_361 : i1
        %add3A_368 = arith.addi %rem3A_359, %select_n3A_358 : i32
        %select_n3A_369 = arith.select %and3A_367, %add3A_368, %rem3A_359 : i32
        %mul3A_370 = arith.constant 112 : i32
        %mul3A_371 = arith.muli %select_n3A_369, %mul3A_370 : i32
        %dma_start3A_372 = arith.constant 0 : i32
        %dma_start3A_373 = tpu.memref_slice %arg2[%sub3A_353, %mul3A_371, %dma_start3A_372] : memref<1536x224x224xf32, #tpu.memory_space<hbm>> -> memref<1x112x224xf32, #tpu.memory_space<hbm>>
        %dma_start3A_374 = arith.constant 0 : i32
        %dma_start3A_375 = tpu.memref_slice %arg2[%sub3A_353, %mul3A_371, %dma_start3A_374] : memref<1536x224x224xf32, #tpu.memory_space<hbm>> -> memref<1x112x224xf32, #tpu.memory_space<hbm>>
        tpu.enqueue_dma source(%dma_start3A_375 : memref<1x112x224xf32, #tpu.memory_space<hbm>>) target(%arg5 : memref<1x112x224xf32, #tpu.memory_space<vmem>>) target_semaphore(%arg9 : memref<!tpu.dma_semaphore, #tpu.memory_space<semaphore_mem>>)
      } else {
      }
      %dma_wait3A_265 = arith.constant 0 : i32
      %dma_wait3A_266 = arith.constant 0 : i32
      %dma_wait3A_267 = arith.constant 0 : i32
      %dma_wait3A_268 = tpu.memref_slice %arg2[%dma_wait3A_265, %dma_wait3A_266, %dma_wait3A_267] : memref<1536x224x224xf32, #tpu.memory_space<hbm>> -> memref<1x112x224xf32, #tpu.memory_space<hbm>>
      %dma_wait3A_269 = arith.constant 0 : i32
      %dma_wait3A_270 = arith.constant 0 : i32
      %dma_wait3A_271 = arith.constant 0 : i32
      %dma_wait3A_272 = tpu.memref_slice %arg2[%dma_wait3A_269, %dma_wait3A_270, %dma_wait3A_271] : memref<1536x224x224xf32, #tpu.memory_space<hbm>> -> memref<1x112x224xf32, #tpu.memory_space<hbm>>
      tpu.wait_dma2 semaphore(%arg11 : memref<!tpu.dma_semaphore, #tpu.memory_space<semaphore_mem>>) src(%dma_wait3A_272 : memref<1x112x224xf32, #tpu.memory_space<hbm>>) dst(%arg7 : memref<1x112x224xf32, #tpu.memory_space<vmem>>)
      %jit3A_273 = arith.constant 2 : i32
      %div3A_274 = arith.divsi %add3A_252, %jit3A_273 : i32
      %sign3A_275 = arith.constant 0 : i32
      %sign3A_276 = arith.cmpi sgt, %add3A_252, %sign3A_275 : i32
      %sign3A_277 = arith.extui %sign3A_276 : i1 to i32
      %sign3A_278 = arith.constant 0 : i32
      %sign3A_279 = arith.cmpi slt, %add3A_252, %sign3A_278 : i32
      %sign3A_280 = arith.extui %sign3A_279 : i1 to i32
      %sign3A_281 = arith.subi %sign3A_277, %sign3A_280 : i32
      %sign3A_282 = arith.constant 0 : i32
      %sign3A_283 = arith.cmpi sgt, %jit3A_273, %sign3A_282 : i32
      %sign3A_284 = arith.extui %sign3A_283 : i1 to i32
      %sign3A_285 = arith.constant 0 : i32
      %sign3A_286 = arith.cmpi slt, %jit3A_273, %sign3A_285 : i32
      %sign3A_287 = arith.extui %sign3A_286 : i1 to i32
      %sign3A_288 = arith.subi %sign3A_284, %sign3A_287 : i32
      %ne3A_289 = arith.cmpi ne, %sign3A_281, %sign3A_288 : i32
      %rem3A_290 = arith.remsi %add3A_252, %jit3A_273 : i32
      %ne3A_291 = arith.constant 0 : i32
      %ne3A_292 = arith.cmpi ne, %rem3A_290, %ne3A_291 : i32
      %and3A_293 = arith.andi %ne3A_289, %ne3A_292 : i1
      %sub3A_294 = arith.constant 1 : i32
      %sub3A_295 = arith.subi %div3A_274, %sub3A_294 : i32
      %select_n3A_296 = arith.select %and3A_293, %sub3A_295, %div3A_274 : i32
      %add3A_297 = arith.addi %mul3A_2, %select_n3A_296 : i32
      %jit3A_298 = arith.constant 2 : i32
      %eq3A_299 = arith.constant 0 : i32
      %eq3A_300 = arith.cmpi eq, %jit3A_298, %eq3A_299 : i32
      %jit3A_301 = arith.constant 1 : i32
      %select_n3A_302 = arith.select %eq3A_300, %jit3A_301, %jit3A_298 : i32
      %rem3A_303 = arith.remsi %add3A_252, %select_n3A_302 : i32
      %ne3A_304 = arith.constant 0 : i32
      %ne3A_305 = arith.cmpi ne, %rem3A_303, %ne3A_304 : i32
      %lt3A_306 = arith.constant 0 : i32
      %lt3A_307 = arith.cmpi slt, %rem3A_303, %lt3A_306 : i32
      %lt3A_308 = arith.constant 0 : i32
      %lt3A_309 = arith.cmpi slt, %select_n3A_302, %lt3A_308 : i32
      %ne3A_310 = arith.xori %lt3A_307, %lt3A_309 : i1
      %and3A_311 = arith.andi %ne3A_310, %ne3A_305 : i1
      %add3A_312 = arith.addi %rem3A_303, %select_n3A_302 : i32
      %select_n3A_313 = arith.select %and3A_311, %add3A_312, %rem3A_303 : i32
      %mul3A_314 = arith.constant 112 : i32
      %mul3A_315 = arith.muli %select_n3A_313, %mul3A_314 : i32
      %dma_start3A_316 = arith.constant 0 : i32
      %dma_start3A_317 = tpu.memref_slice %arg3[%add3A_297, %mul3A_315, %dma_start3A_316] : memref<1536x224x224xf32, #tpu.memory_space<hbm>> -> memref<1x112x224xf32, #tpu.memory_space<hbm>>
      %dma_start3A_318 = arith.constant 0 : i32
      %dma_start3A_319 = tpu.memref_slice %arg3[%add3A_297, %mul3A_315, %dma_start3A_318] : memref<1536x224x224xf32, #tpu.memory_space<hbm>> -> memref<1x112x224xf32, #tpu.memory_space<hbm>>
      tpu.enqueue_dma source(%arg7 : memref<1x112x224xf32, #tpu.memory_space<vmem>>) target(%dma_start3A_319 : memref<1x112x224xf32, #tpu.memory_space<hbm>>) target_semaphore(%arg15 : memref<!tpu.dma_semaphore, #tpu.memory_space<semaphore_mem>>)
    }
    %scan3A_34 = arith.constant 24 : i32
    %dma_wait3A = arith.constant 0 : i32
    %dma_wait3A_35 = arith.constant 0 : i32
    %dma_wait3A_36 = tpu.memref_slice %arg3[%mul3A_2, %dma_wait3A, %dma_wait3A_35] : memref<1536x224x224xf32, #tpu.memory_space<hbm>> -> memref<1x112x224xf32, #tpu.memory_space<hbm>>
    %dma_wait3A_37 = arith.constant 0 : i32
    %dma_wait3A_38 = arith.constant 0 : i32
    %dma_wait3A_39 = tpu.memref_slice %arg3[%mul3A_2, %dma_wait3A_37, %dma_wait3A_38] : memref<1536x224x224xf32, #tpu.memory_space<hbm>> -> memref<1x112x224xf32, #tpu.memory_space<hbm>>
    tpu.wait_dma2 semaphore(%arg14 : memref<!tpu.dma_semaphore, #tpu.memory_space<semaphore_mem>>) src(%arg6 : memref<1x112x224xf32, #tpu.memory_space<vmem>>) dst(%dma_wait3A_39 : memref<1x112x224xf32, #tpu.memory_space<hbm>>)
    %dma_wait3A_40 = arith.constant 0 : i32
    %dma_wait3A_41 = arith.constant 0 : i32
    %dma_wait3A_42 = tpu.memref_slice %arg3[%mul3A_2, %dma_wait3A_40, %dma_wait3A_41] : memref<1536x224x224xf32, #tpu.memory_space<hbm>> -> memref<1x112x224xf32, #tpu.memory_space<hbm>>
    %dma_wait3A_43 = arith.constant 0 : i32
    %dma_wait3A_44 = arith.constant 0 : i32
    %dma_wait3A_45 = tpu.memref_slice %arg3[%mul3A_2, %dma_wait3A_43, %dma_wait3A_44] : memref<1536x224x224xf32, #tpu.memory_space<hbm>> -> memref<1x112x224xf32, #tpu.memory_space<hbm>>
    tpu.wait_dma2 semaphore(%arg15 : memref<!tpu.dma_semaphore, #tpu.memory_space<semaphore_mem>>) src(%arg7 : memref<1x112x224xf32, #tpu.memory_space<vmem>>) dst(%dma_wait3A_45 : memref<1x112x224xf32, #tpu.memory_space<hbm>>)
    return
  }
}

</mosaic_0001>

<sc_bundles>
// kernel: branch_1_fun.3.cloned.1.call-start
scs
__scs_entry_jumppad:
0x0: {  	(pc) =	sbr.rel $0x88, $3  }
0x1: {  	(tag) =	ssettag $0x0;
	lr =	simm.s32 $0x1  }
0x2: {  	[smem:$0x3F9F] =	sst lr;
	_ =	strace $0xD0000000  }
0x3: {  	_ = 	snop  }
0x4: {  	_ = 	snop  }
0x5: {  	_ = 	snop  }
0x6: {  	_ = 	snop  }
0x7: {  	_ = 	snop  }
__scs_overlays_trampoline_lowered:
0x8: {  	[smem:$0x3FAE] =	sst s0  }
0x9: {  	[smem:$0x3FAF] =	sst s1  }
0xa: {  	[smem:$0x3FB0] =	sst s2  }
0xb: {  	[smem:$0x3FB1] =	sst s3  }
0xc: {  	[smem:$0x3FB2] =	sst s4  }
0xd: {  	[smem:$0x3FB3] =	sst s5  }
0xe: {  	[smem:$0x3FB4] =	sst s6  }
0xf: {  	[smem:$0x3FB5] =	sst s7  }
0x10: {  	[smem:$0x3FB6] =	sst s8  }
0x11: {  	[smem:$0x3FB7] =	sst s9;
	s0 =	simm.s32 @!p0 $0x0  }
0x12: {  	s1 =	sld [smem:$0x3F9D];
	s0 =	simm.s32 @p0 $0x1  }
0x13: {  	[smem:$0x3FB8] =	sst s0;
	s0 =	simm.s32 @!p1 $0x0  }
0x14: {  	s2 =	sld [smem:$0x3F9C];
	s0 =	simm.s32 @p1 $0x1  }
0x15: {  	[smem:$0x3FB9] =	sst s0;
	s0 =	simm.s32 @!p2 $0x0  }
0x16: {  	s3 =	sld [smem:$0x3FDB];
	s0 =	simm.s32 @p2 $0x1  }
0x17: {  	s4 =	simm.s32 $0x1BF5;
	[smem:$0x3FBB] =	sst s0  }
0x18: {  	s0 =	sld [smem:$0x3F9E];
	_ =	swait.ge [sflag:s4], $0x0  }
0x19: {  	s7 =	sld [smem:$0x3F9F]  }
0x1a: {  	s8 =	sadd.s32 $0xFFFFE003, lr  }
0x1b: {  	s9 =	sadd.s32 $0xFFFFFEF7, lr;
	s5 =	simm.s32 $0xFFFFFFFF;
	p2 =	slt.u32 s8, $0xFFFFF086  }
0x1c: {  	p1 =	slt.u32 s9, $0xF7A;
	s5 =	simm.s32 @!p2 $0x0  }
0x1d: {  	s5 =	simm.s32 @p1 $0x1;
	p0 =	seq.s32 s7, s2  }
0x1e: {  	s7 =	smul.u32 @!p0 $0xF7A, s2;
	p2 =	seq.s32 @!p0 s5, $0x0  }
0x1f: {  	s9 =	smul.u32 $0xF7A, s1;
	s8 =	simm.s32 @!p0 $0x1BF5;
	p2 =	por !p2, p0  }
0x20: {  	[sflag:s8] =	ssyncset.s32 @!p0 $0xFFFFF086;
	s6 =	sadd.s32 @!p0 s3, s7;
	s7 =	simm.s32 @!p0 $0x108  }
0x21: {  	s3 =	sadd.s32 s3, s9;
	s6 =	sadd.s32 @!p0 $0x88, s6;
	s7 =	simm.s32 @p2 $0x1082  }
0x22: {  	[simem:s7], [sflag:s8] =	dma.local @!p0 [hbm:s6], $0xF7A  }
0x23: {  	s9 =	sor.u32 $0xD0000000, s2;
	s6 =	simm.s32 $0x108;
	_ =	swait.ge @!p0 [sflag:s8], $0x0  }
0x24: {  	s3 =	sadd.s32 $0x88, s3;
	s6 =	simm.s32 @!p1 $0x1082;
	[sflag:s4] =	ssyncset.s32 $0xFFFFF086  }
0x25: {  	[simem:s6], [sflag:s4] =	dma.local [hbm:s3], $0xF7A  }
0x26: {  	[smem:$0x3F9F] =	sst s1;
	(tag) =	ssettag s2;
	_ =	strace s9  }
0x27: {  	s1 =	sld [smem:$0x3FAF]  }
0x28: {  	s2 =	sld [smem:$0x3FB0]  }
0x29: {  	s4 =	sld [smem:$0x3FB2]  }
0x2a: {  	p0 =	seq.s32 s5, $0x0;
	s5 =	sld [smem:$0x3FB3]  }
0x2b: {  	s6 =	sld [smem:$0x3FB4]  }
0x2c: {  	s7 =	sld [smem:$0x3FB5]  }
0x2d: {  	s3 =	simm.s32 $0x108;
	s8 =	sld [smem:$0x3FB6]  }
0x2e: {  	s3 =	simm.s32 @!p0 $0x1082;
	s9 =	sld [smem:$0x3FB7]  }
0x2f: {  	lr =	sadd.s32 s0, s3;
	s0 =	sld [smem:$0x3FAE]  }
0x30: {  	s3 =	sld [smem:$0x3FB1]  }
0x31: {  	[smem:$0x3FBA] =	sst s10  }
0x32: {  	s10 =	sld [smem:$0x3FB8];
	_ =	sdelay $0x3  }
0x33: {  	p0 =	seq.s32 s10, $0x1;
	s10 =	sld [smem:$0x3FBA];
	_ =	sdelay $0x3  }
0x34: {  	[smem:$0x3FBA] =	sst s10  }
0x35: {  	s10 =	sld [smem:$0x3FB9];
	_ =	sdelay $0x3  }
0x36: {  	p1 =	seq.s32 s10, $0x1;
	s10 =	sld [smem:$0x3FBA];
	_ =	sdelay $0x3  }
0x37: {  	[smem:$0x3FBA] =	sst s10  }
0x38: {  	s10 =	sld [smem:$0x3FBB]  }
0x39: {  	_ = 	snop;
	(pc) =	sbr.ind lr, $3  }
0x3a: {  	_ = 	snop  }
0x3b: {  	_ = 	snop  }
0x3c: {  	p2 =	seq.s32 s10, $0x1;
	s10 =	sld [smem:$0x3FBA]  }
0x3d: {  	_ =	shalt  }
0x3e: {  	_ =	shalt  }
0x3f: {  	_ =	shalt  }
0x40: {  	_ =	shalt  }
0x41: {  	_ =	shalt  }
0x42: {  	_ =	shalt  }
0x43: {  	_ =	shalt  }
0x44: {  	_ =	shalt  }
0x45: {  	_ =	shalt  }
0x46: {  	_ =	shalt  }
0x47: {  	_ =	shalt  }
0x48: {  	_ =	shalt  }
0x49: {  	_ =	shalt  }
0x4a: {  	_ =	shalt  }
0x4b: {  	_ =	shalt  }
0x4c: {  	_ =	shalt  }
0x4d: {  	_ =	shalt  }
0x4e: {  	_ =	shalt  }
0x4f: {  	_ =	shalt  }
0x50: {  	_ =	shalt  }
0x51: {  	_ =	shalt  }
0x52: {  	_ =	shalt  }
0x53: {  	_ =	shalt  }
0x54: {  	_ =	shalt  }
0x55: {  	_ =	shalt  }
0x56: {  	_ =	shalt  }
0x57: {  	_ =	shalt  }
0x58: {  	_ =	shalt  }
0x59: {  	_ =	shalt  }
0x5a: {  	_ =	shalt  }
0x5b: {  	_ =	shalt  }
0x5c: {  	_ =	shalt  }
0x5d: {  	_ =	shalt  }
0x5e: {  	_ =	shalt  }
0x5f: {  	_ =	shalt  }
0x60: {  	_ =	shalt  }
0x61: {  	_ =	shalt  }
0x62: {  	_ =	shalt  }
0x63: {  	_ =	shalt  }
0x64: {  	_ =	shalt  }
0x65: {  	_ =	shalt  }
0x66: {  	_ =	shalt  }
0x67: {  	_ =	shalt  }
0x68: {  	_ =	shalt  }
0x69: {  	_ =	shalt  }
0x6a: {  	_ =	shalt  }
0x6b: {  	_ =	shalt  }
0x6c: {  	_ =	shalt  }
0x6d: {  	_ =	shalt  }
0x6e: {  	_ =	shalt  }
0x6f: {  	_ =	shalt  }
0x70: {  	_ =	shalt  }
0x71: {  	_ =	shalt  }
0x72: {  	_ =	shalt  }
0x73: {  	_ =	shalt  }
0x74: {  	_ =	shalt  }
0x75: {  	_ =	shalt  }
0x76: {  	_ =	shalt  }
0x77: {  	_ =	shalt  }
0x78: {  	_ =	shalt  }
0x79: {  	_ =	shalt  }
0x7a: {  	_ =	shalt  }
0x7b: {  	_ =	shalt  }
0x7c: {  	_ =	shalt  }
0x7d: {  	_ =	shalt  }
0x7e: {  	_ =	shalt  }
0x7f: {  	_ =	shalt  }
0x80: {  	_ =	shalt  }
0x81: {  	_ =	shalt  }
0x82: {  	_ =	shalt  }
0x83: {  	_ =	shalt  }
0x84: {  	_ =	shalt  }
0x85: {  	_ =	shalt  }
0x86: {  	_ =	shalt  }
0x87: {  	_ =	shalt  }
.Lfunc_end0:
.L_simem_size_0:
called_computation.1_lowered:
.L_overlay_start_0:
0x88: {  	s2 =	sld [smem:$0x3FD9]  }
0x89: {  	s3 =	sld [smem:$0x3FFE];
	_ =	sdelay $0x1  }
0x8a: {  	s1 =	srdreg.scid  }
0x8b: {  	s0 =	sand.u32 $0x1, s1  }
0x8c: {  	s18 =	sshll.u32 s0, $0xA;
	s2 =	sadd.s32 s3, s2  }
0x8d: {  	s2 =	sadd.s32 s2, s18  }
0x8e: {  	[smem:$0x3FC6] =	sst s2  }
0x8f: {  	_ = 	snop  }
0x90: {  	s2 =	sld [smem:$0x3FC9]  }
0x91: {  	s19 =	sld [smem:$0x3FD0];
	(tm) =	ssettm $0x1  }
0x92: {  	s4 =	sld [smem:$0x3FFB];
	_ =	sdelay $0x3  }
0x93: {  	_ =	strace s4  }
0x94: {  	s4 =	sld [smem:$0x3FFC];
	_ =	sdelay $0x3  }
0x95: {  	_ =	strace s4  }
0x96: {  	s4 =	sld [smem:$0x3FFD];
	_ =	sdelay $0x3  }
0x97: {  	_ =	strace s4  }
0x98: {  	_ =	strace $0x8FFFFFFF  }
0x99: {  	s20 =	sld [smem:$0x3FDB];
	_ =	sdelay $0x1  }
0x9a: {  	s5 =	simm.s32 $_scs_section_size  }
0x9b: {  	s6 =	simm.s32 $_size__tile_overlayer_lowered;
	s7 =	simm.s32 $_tile_overlayer_lowered  }
0x9c: {  	s23 =	simm.s32 $0x1BFF;
	s22 =	sshll.u32 s7, $0x1;
	s4 =	sadd.s32 s5, s20  }
0x9d: {  	s8 =	simm.s32 $0x0;
	s21 =	sshll.u32 s6, $0x1;
	s6 =	sadd.s32 s22, s4  }
0x9e: {  	[timem:s8], [sflag:s23] =	dma.local [hbm:s6], s21  }
0x9f: {  	_ =	swait.ge [sflag:s23], s21  }
0xa0: {  	s5 =	ssub.s32 $0x0, s21;
	[sflag:s23] =	ssyncset.done $0x0  }
0xa1: {  	[sflag:s23] =	ssyncadd.s32 s5;
	_ =	sdelay $0x1  }
0xa2: {  	s24 =	simm.s32 $0x1B8B  }
0xa3: {  	_ =	swait.ge [sflag:s24], $0x1  }
0xa4: {  	[sflag:s24] =	ssyncset.done $0x0  }
0xa5: {  	s25 =	simm.s32 $0x1B8E;
	[sflag:s24] =	ssyncadd.s32 $0xFFFFFFFF  }
0xa6: {  	s26 =	simm.s32 $execute0_lowered;
	[smem:$0x3FD2] =	sst s25  }
0xa7: {  	s5 =	sshll.u32 s26, $0x1;
	_ =	strace $0x80000049;
	[dreg:$0x1] =	wrdreg $0xFFFFFFFF  }
0xa8: {  	s28 =	simm.s32 $_size_execute0_lowered;
	s4 =	sadd.s32 s4, s5;
	[dreg:$0x0] =	wrdreg $0x0  }
0xa9: {  	s5 =	sshll.u32 s28, $0x1;
	[dreg:$0x2] =	wrdreg s4  }
0xaa: {  	[dreg:$0x3] =	wrdreg s5  }
0xab: {  	[dreg:$0x4] =	wrdreg $0xC0  }
0xac: {  	_ =	task [dreg:s8], $0x5FFFF  }
0xad: {  	[dreg:$0x1] =	wrdreg $0xFFFFFFFF  }
0xae: {  	[dreg:$0x0] =	wrdreg $0x60  }
0xaf: {  	[dreg:$0x2] =	wrdreg s2  }
0xb0: {  	[dreg:$0x3] =	wrdreg s19  }
0xb1: {  	[dreg:$0x4] =	wrdreg $0x9  }
0xb2: {  	_ =	task.clear_ibuf [dreg:s8], $0x5FFFF;
	_ =	strace $0x90000049  }
0xb3: {  	s29 =	simm.s32 $0x9;
	_ =	strace $0x8000004B  }
0xb4: {  	_ =	swait.ge [sflag:s29], $0x1  }
0xb5: {  	[sflag:s29] =	ssyncadd.s32 $0xFFFFFFFF  }
0xb6: {  	_ =	strace $0x9000004B  }
0xb7: {  	_ =	sfence  }
0xb8: {  	s30 =	sld [smem:$0x0];
	_ =	sdelay $0x2  }
0xb9: {  	s31 =	sshll.u32 s1, $0xD;
	s1 =	sshrl.u32 s1, $0x2  }
0xba: {  	s3 =	sand.u32 $0x4000, s31;
	s1 =	sadd.s32 s1, s30  }
0xbb: {  	s0 =	sor.u32 s3, s0;
	s1 =	sshll.u32 s1, $0x11  }
0xbc: {  	s0 =	sor.u32 s1, s0  }
0xbd: {  	s0 =	sadd.s32 $0x8F2B, s0  }
0xbe: {  	[sflag:s0] =	ssyncadd.remote.s32 $0x1  }
0xbf: {  	_ =	sfence.sel $0xFFFF  }
0xc0: {  	[dreg:$0x0] =	wrdreg $0xFFFFFFFF;
	(pc) =	sbr.abs _section_cstart, $3  }
0xc1: {  	[dreg:$0x1] =	wrdreg $0xFFFFFFFF  }
0xc2: {  	_ =	task.clear_ibuf [dreg:s8], $0x2FFFF;
	_ =	strace $0x9FFFFFFF  }
0xc3: {  	(tm) =	ssettm $0x7FFFFFFF  }
tec
execute0_lowered:
.L_overlay_start_1:
0x0: {  	(tag) =	ssettag $0x1  }
0x1: {  	s0 =	stileid.u32  }
0x2: {  	s1 =	srdreg.scid;
	s10 =	smul.u32 $0x540000, s0  }
0x3: {  	s3 =	rddreg [dreg:$0x1];
	s4 =	simm.s32 $0x0;
	s12 =	smul.u32 $0x60, s0  }
0x4: {  	s9 =	sand.u32 $0x1, s1;
	s24 =	sshll.u32 s0, $0x1;
	s13 =	smul.u32 $0xA8000, s0  }
0x5: {  	s16 =	simm.s32 $0x5;
	s1 =	sor.u32 s9, s24;
	s8 =	smul.u32 $0xFFD60000, s9  }
0x6: {  	s17 =	simm.s32 $0x3;
	s18 =	simm.s32 $0x6;
	s2 =	smul.u32 $0x8010, s1  }
0x7: {  	s19 =	simm.s32 $0x4;
	s20 =	simm.s32 $0x7;
	s11 =	smul.u32 $0x2A0000, s9  }
0x8: {  	s21 =	simm.s32 $0x8;
	s5 =	smul.u32 $0x30, s1;
	s25 =	sshrl.u32 s2, $0x10  }
0x9: {  	s22 =	simm.s32 $0x0;
	s26 =	ssub.s32 $0x2, s9;
	s1 =	smul.u32 $0x60, s25  }
0xa: {  	[smem:$0x7FF] =	sst s4;
	s15 =	smul.u32 $0x54000, s9;
	s7 =	sshrl.u32 s26, $0x1  }
0xb: {  	s9 =	smul.u32 $0x30, s9;
	s7 =	ssub.s32 s26, s7;
	s1 =	ssub.s32 s5, s1  }
0xc: {  	s11 =	sadd.s32 s11, s10;
	s8 =	ssub.s32 s8, s10;
	s1 =	sshll.u32 s1, $0x1  }
0xd: {  	s30 =	sadd.s32 s15, s13;
	s12 =	sadd.s32 s9, s12;
	s6 =	sand.u32 $0xFFE0, s1  }
0xe: {  	s13 =	simm.s32 $0x1;
	s15 =	simm.s32 $0x2;
	s5 =	ssub.s32 s5, s6  }
0xf: {  	s2 =	rddreg [dreg:$0x0];
	_ =	strace $0x8000004A;
	s5 =	smul.u32 $0xE000, s5  }
0x10: {  	s7 =	smax.u32 s7, $0x1;
	s14 =	sor.u32 $0x7000, s11;
	s11 =	sor.u32 $0x15000, s11  }
0x11: {  	[dreg:$0x3] =	wrdreg s30;
	s9 =	sor.u32 $0x2, s12;
	s5 =	sadd.s32 $0x532000, s5  }
0x12: {  	s10 =	sor.u32 $0x1, s12;
	s29 =	sshrl.u32 s14, $0x3;
	s5 =	sshrl.u32 s5, $0x3  }
0x13: {  	s31 =	sshrl.u32 s11, $0x3;
	[dreg:$0x4] =	wrdreg s29;
	s5 =	sadd.s32 s2, s5  }
0x14: {  	s12 =	simm.s32 $0xE000;
	[dreg:$0x5] =	wrdreg s31;
	s28 =	sadd.s32 $0xE00, s5  }
0x15: {  	s11 =	simm.s32 $0x7000;
	s14 =	simm.s32 $0x15000;
	[dreg:$0x6] =	wrdreg s28  }
.LBB2_1:
0x16: {  	s23 =	smulhi.u32 $0xAAAAAAAB, s10  }
0x17: {  	[tilespmem:s4], [sflag:$0x1] =	stream.linear.gather [hbm4b:s5+s4], $0x7000, $0x38;
	[tilespmem:$0x1C000] =	vst v63  }
0x18: {  	s23 =	sshrl.u32 s23, $0x6  }
0x19: {  	s0 =	rddreg [dreg:$0x6];
	s23 =	smul.u32 $0xA80000, s23  }
0x1a: {  	[tilespmem:s11], [sflag:$0x2] =	stream.linear.gather [hbm4b:s0+s4], $0x7000, $0x38;
	[tilespmem:$0x1C000] =	vst v63  }
0x1b: {  	p0 =	por $0x1, $0x1;
	s23 =	sadd.s32 s23, s8  }
0x1c: {  	s24 =	simm.s32 @!p0 $0x7;
	s23 =	sadd.s32 $0x0, s23  }
0x1d: {  	_ =	swait.ge @!p0 [sflag:s24], $0x7000;
	s25 =	sadd.s32 $0x524000, s23  }
0x1e: {  	[sflag:s24] =	ssyncset.done @!p0 $0x0;
	s25 =	sshrl.u32 s25, $0x3  }
0x1f: {  	[sflag:s24] =	ssyncadd.s32 @!p0 $0xFFFF9000;
	s25 =	sadd.s32 s2, s25  }
0x20: {  	[tilespmem:s12], [sflag:$0x3] =	stream.linear.gather [hbm4b:s25+s4], $0x7000, $0x38;
	[tilespmem:$0x1C000] =	vst v63  }
0x21: {  	_ =	swait.ge [sflag:s13], $0x7000  }
0x22: {  	s6 =	rddreg [dreg:$0x3];
	[sflag:s13] =	ssyncset.done $0x0  }
0x23: {  	s25 =	simm.s32 @!p0 $0x8;
	[sflag:s13] =	ssyncadd.s32 $0xFFFF9000;
	s24 =	sadd.s32 s3, s6  }
0x24: {  	[hbm4b:s24+s4] =	stream.linear.scatter [tilespmem:s4], [sflag:$0x5], $0x7000, $0x38;
	[tilespmem:$0x1C000] =	vst v63  }
0x25: {  	s26 =	smulhi.u32 $0xAAAAAAAB, s9;
	s23 =	sadd.s32 $0x52B000, s23;
	_ =	swait.ge @!p0 [sflag:s25], $0x7000  }
0x26: {  	s23 =	sshrl.u32 s23, $0x3;
	[sflag:s25] =	ssyncset.done @!p0 $0x0  }
0x27: {  	s23 =	sadd.s32 s2, s23;
	[sflag:s25] =	ssyncadd.s32 @!p0 $0xFFFF9000;
	s25 =	sshrl.u32 s26, $0x6  }
0x28: {  	[tilespmem:s14], [sflag:$0x4] =	stream.linear.gather [hbm4b:s23+s4], $0x7000, $0x38;
	[tilespmem:$0x1C000] =	vst v63  }
0x29: {  	s23 =	smul.u32 $0xA80000, s25  }
0x2a: {  	p0 =	por $0x0, $0x0;
	_ =	swait.ge [sflag:s15], $0x7000  }
0x2b: {  	s26 =	rddreg [dreg:$0x4];
	s23 =	sadd.s32 s23, s8;
	[sflag:s15] =	ssyncset.done $0x0  }
0x2c: {  	[sflag:s15] =	ssyncadd.s32 $0xFFFF9000;
	s25 =	sadd.s32 s3, s26;
	s23 =	sadd.s32 @!p0 $0x0, s23  }
0x2d: {  	[hbm4b:s25+s4] =	stream.linear.scatter [tilespmem:s11], [sflag:$0x6], $0x7000, $0x38;
	[tilespmem:$0x1C000] =	vst v63  }
0x2e: {  	s25 =	sadd.s32 @!p0 $0x516000, s23;
	_ =	swait.ge [sflag:s16], $0x7000  }
0x2f: {  	s25 =	sshrl.u32 @!p0 s25, $0x3;
	[sflag:s16] =	ssyncset.done $0x0  }
0x30: {  	s28 =	simm.s32 @!p0 $0x0;
	s25 =	sadd.s32 @!p0 s2, s25;
	[sflag:s16] =	ssyncadd.s32 $0xFFFF9000  }
0x31: {  	[tilespmem:s28], [sflag:$0x1] =	stream.linear.gather @!p0 [hbm4b:s25+s28], $0x7000, $0x38;
	[tilespmem:$0x1C000] =	vst v63  }
0x32: {  	_ =	swait.ge [sflag:s17], $0x7000  }
0x33: {  	[sflag:s17] =	ssyncset.done $0x0  }
0x34: {  	s29 =	simm.s32 $0xFFFC8000;
	s24 =	sadd.s32 $0x1C00, s24;
	[sflag:s17] =	ssyncadd.s32 $0xFFFF9000  }
0x35: {  	[hbm4b:s24+s4] =	stream.linear.scatter [tilespmem:s12], [sflag:$0x7], $0x7000, $0x38;
	[tilespmem:$0x1C000] =	vst v63  }
0x36: {  	s26 =	sadd.s32 $0x2, s10;
	s23 =	sadd.s32 @!p0 $0x51D000, s23;
	_ =	swait.ge [sflag:s18], $0x7000  }
0x37: {  	s31 =	smulhi.u32 $0xAAAAAAAB, s26;
	s23 =	sshrl.u32 @!p0 s23, $0x3;
	[sflag:s18] =	ssyncset.done $0x0  }
0x38: {  	s23 =	sadd.s32 @!p0 s2, s23;
	s25 =	simm.s32 @!p0 $0x7000;
	[sflag:s18] =	ssyncadd.s32 $0xFFFF9000  }
0x39: {  	[tilespmem:s25], [sflag:$0x2] =	stream.linear.gather @!p0 [hbm4b:s23+s28], $0x7000, $0x38;
	[tilespmem:$0x1C000] =	vst v63  }
0x3a: {  	s24 =	sadd.s32 $0x2, s9;
	s25 =	simm.s32 $0xFFFE4000;
	s28 =	sshrl.u32 s31, $0x6  }
0x3b: {  	s23 =	sadd.s32 $0x3800, s3;
	s30 =	smul.u32 $0xA80000, s28;
	s28 =	smov.u32 s3  }
.LBB2_2:
0x3c: {  	_ =	swait.ge [sflag:s19], $0x7000  }
0x3d: {  	s31 =	sadd.s32 s30, s8;
	[sflag:s19] =	ssyncset.done $0x0;
	s1 =	rddreg [dreg:$0x5]  }
0x3e: {  	p1 =	seq.s32 s25, $0x0;
	[sflag:s19] =	ssyncadd.s32 $0xFFFF9000;
	s1 =	sadd.s32 s28, s1  }
0x3f: {  	[hbm4b:s1+s4] =	stream.linear.scatter [tilespmem:s14], [sflag:$0x8], $0x7000, $0x38;
	[tilespmem:$0x1C000] =	vst v63  }
0x40: {  	s31 =	sadd.s32 s31, s25;
	s1 =	simm.s32 @!p1 $0x7  }
0x41: {  	s0 =	sadd.s32 $0x524000, s31;
	_ =	swait.ge @!p1 [sflag:s1], $0x7000  }
0x42: {  	s0 =	sshrl.u32 s0, $0x3;
	[sflag:s1] =	ssyncset.done @!p1 $0x0  }
0x43: {  	s0 =	sadd.s32 s2, s0;
	[sflag:s1] =	ssyncadd.s32 @!p1 $0xFFFF9000  }
0x44: {  	[tilespmem:s12], [sflag:$0x3] =	stream.linear.gather [hbm4b:s0+s4], $0x7000, $0x38;
	[tilespmem:$0x1C000] =	vst v63  }
0x45: {  	_ =	swait.ge [sflag:s13], $0x7000  }
0x46: {  	s6 =	smulhi.u32 $0xAAAAAAAB, s24;
	s1 =	rddreg [dreg:$0x3];
	[sflag:s13] =	ssyncset.done $0x0  }
0x47: {  	[sflag:s13] =	ssyncadd.s32 $0xFFFF9000;
	s0 =	sadd.s32 s23, s1;
	s1 =	simm.s32 @!p1 $0x8  }
0x48: {  	[hbm4b:s0+s4] =	stream.linear.scatter [tilespmem:s4], [sflag:$0x5], $0x7000, $0x38;
	[tilespmem:$0x1C000] =	vst v63  }
0x49: {  	s31 =	sadd.s32 $0x52B000, s31;
	_ =	swait.ge @!p1 [sflag:s1], $0x7000  }
0x4a: {  	s6 =	sshrl.u32 s6, $0x6;
	s31 =	sshrl.u32 s31, $0x3;
	[sflag:s1] =	ssyncset.done @!p1 $0x0  }
0x4b: {  	s31 =	sadd.s32 s2, s31;
	[sflag:s1] =	ssyncadd.s32 @!p1 $0xFFFF9000;
	s1 =	smul.u32 $0xA80000, s6  }
0x4c: {  	[tilespmem:s14], [sflag:$0x4] =	stream.linear.gather [hbm4b:s31+s4], $0x7000, $0x38;
	[tilespmem:$0x1C000] =	vst v63  }
0x4d: {  	p1 =	seq.s32 s25, $0xFFD7C000;
	_ =	swait.ge [sflag:s15], $0x7000  }
0x4e: {  	s1 =	sadd.s32 s1, s8;
	s31 =	rddreg [dreg:$0x4];
	[sflag:s15] =	ssyncset.done $0x0  }
0x4f: {  	s1 =	sadd.s32 @!p1 s1, s25;
	[sflag:s15] =	ssyncadd.s32 $0xFFFF9000;
	s6 =	sadd.s32 s23, s31  }
0x50: {  	[hbm4b:s6+s4] =	stream.linear.scatter [tilespmem:s11], [sflag:$0x6], $0x7000, $0x38;
	[tilespmem:$0x1C000] =	vst v63  }
0x51: {  	s30 =	smov.u32 s29;
	s6 =	sadd.s32 @!p1 $0x516000, s1;
	_ =	swait.ge [sflag:s16], $0x7000  }
0x52: {  	s29 =	sadd.s32 $0xFFFE4000, s29;
	s6 =	sshrl.u32 @!p1 s6, $0x3;
	[sflag:s16] =	ssyncset.done $0x0  }
0x53: {  	s31 =	simm.s32 @!p1 $0x0;
	s6 =	sadd.s32 @!p1 s2, s6;
	[sflag:s16] =	ssyncadd.s32 $0xFFFF9000  }
0x54: {  	[tilespmem:s31], [sflag:$0x1] =	stream.linear.gather @!p1 [hbm4b:s6+s31], $0x7000, $0x38;
	[tilespmem:$0x1C000] =	vst v63  }
0x55: {  	s26 =	sadd.s32 $0x2, s26;
	s24 =	sadd.s32 $0x2, s24;
	_ =	swait.ge [sflag:s17], $0x7000  }
0x56: {  	p0 =	sne.s32 s29, $0xFFD60000;
	s28 =	smov.u32 s23;
	[sflag:s17] =	ssyncset.done $0x0  }
0x57: {  	s0 =	sadd.s32 $0x1C00, s0;
	s6 =	smulhi.u32 $0xAAAAAAAB, s26;
	[sflag:s17] =	ssyncadd.s32 $0xFFFF9000  }
0x58: {  	[hbm4b:s0+s4] =	stream.linear.scatter [tilespmem:s12], [sflag:$0x7], $0x7000, $0x38;
	[tilespmem:$0x1C000] =	vst v63  }
.Ltmp0:
0x59: {  	s25 =	smov.u32 s30;
	s1 =	sadd.s32 @!p1 $0x51D000, s1;
	(pc) =	sbr.rel @p0 .LBB2_2-.Ltmp0, $4  }
0x5a: {  	s23 =	sadd.s32 $0x3800, s23;
	s1 =	sshrl.u32 @!p1 s1, $0x3;
	_ =	swait.ge [sflag:s18], $0x7000  }
0x5b: {  	s0 =	sshrl.u32 s6, $0x6;
	s6 =	simm.s32 @!p1 $0x7000;
	[sflag:s18] =	ssyncset.done $0x0  }
0x5c: {  	s30 =	smul.u32 $0xA80000, s0;
	s0 =	sadd.s32 @!p1 s2, s1;
	[sflag:s18] =	ssyncadd.s32 $0xFFFF9000  }
0x5d: {  	[tilespmem:s6], [sflag:$0x2] =	stream.linear.gather @!p1 [hbm4b:s0+s31], $0x7000, $0x38;
	[tilespmem:$0x1C000] =	vst v63  }
0x5e: {  	_ =	swait.ge [sflag:s19], $0x7000;
	s1 =	sadd.s32 s30, s8;
	p0 =	seq.s32 s25, $0x0  }
0x5f: {  	s0 =	rddreg [dreg:$0x5];
	[sflag:s19] =	ssyncset.done $0x0;
	s26 =	sadd.s32 s1, s25  }
0x60: {  	s1 =	simm.s32 @!p0 $0x7;
	[sflag:s19] =	ssyncadd.s32 $0xFFFF9000;
	s0 =	sadd.s32 s28, s0  }
0x61: {  	[hbm4b:s0+s4] =	stream.linear.scatter [tilespmem:s14], [sflag:$0x8], $0x7000, $0x38;
	[tilespmem:$0x1C000] =	vst v63  }
0x62: {  	s6 =	sadd.s32 $0x524000, s26;
	_ =	swait.ge @!p0 [sflag:s1], $0x7000  }
0x63: {  	s6 =	sshrl.u32 s6, $0x3;
	[sflag:s1] =	ssyncset.done @!p0 $0x0  }
0x64: {  	s6 =	sadd.s32 s2, s6;
	[sflag:s1] =	ssyncadd.s32 @!p0 $0xFFFF9000  }
0x65: {  	[tilespmem:s12], [sflag:$0x3] =	stream.linear.gather [hbm4b:s6+s4], $0x7000, $0x38;
	[tilespmem:$0x1C000] =	vst v63  }
0x66: {  	_ =	swait.ge [sflag:s13], $0x7000  }
0x67: {  	s28 =	rddreg [dreg:$0x3];
	[sflag:s13] =	ssyncset.done $0x0  }
0x68: {  	s6 =	simm.s32 @!p0 $0x8;
	[sflag:s13] =	ssyncadd.s32 $0xFFFF9000;
	s1 =	sadd.s32 s23, s28  }
0x69: {  	[hbm4b:s1+s4] =	stream.linear.scatter [tilespmem:s4], [sflag:$0x5], $0x7000, $0x38;
	[tilespmem:$0x1C000] =	vst v63  }
0x6a: {  	s24 =	smulhi.u32 $0xAAAAAAAB, s24;
	s0 =	sadd.s32 $0x52B000, s26;
	_ =	swait.ge @!p0 [sflag:s6], $0x7000  }
0x6b: {  	s0 =	sshrl.u32 s0, $0x3;
	[sflag:s6] =	ssyncset.done @!p0 $0x0  }
0x6c: {  	s29 =	sshrl.u32 s24, $0x6;
	s0 =	sadd.s32 s2, s0;
	[sflag:s6] =	ssyncadd.s32 @!p0 $0xFFFF9000  }
0x6d: {  	[tilespmem:s14], [sflag:$0x4] =	stream.linear.gather [hbm4b:s0+s4], $0x7000, $0x38;
	[tilespmem:$0x1C000] =	vst v63  }
0x6e: {  	s0 =	smul.u32 $0xA80000, s29  }
0x6f: {  	p0 =	seq.s32 s25, $0xFFD7C000;
	_ =	swait.ge [sflag:s15], $0x7000  }
0x70: {  	s30 =	rddreg [dreg:$0x4];
	s0 =	sadd.s32 s0, s8;
	[sflag:s15] =	ssyncset.done $0x0  }
0x71: {  	[sflag:s15] =	ssyncadd.s32 $0xFFFF9000;
	s6 =	sadd.s32 s23, s30;
	s0 =	sadd.s32 @!p0 s0, s25  }
0x72: {  	[hbm4b:s6+s4] =	stream.linear.scatter [tilespmem:s11], [sflag:$0x6], $0x7000, $0x38;
	[tilespmem:$0x1C000] =	vst v63  }
0x73: {  	s6 =	sadd.s32 @!p0 $0x516000, s0;
	_ =	swait.ge [sflag:s16], $0x7000  }
0x74: {  	s6 =	sshrl.u32 @!p0 s6, $0x3;
	[sflag:s16] =	ssyncset.done $0x0  }
0x75: {  	s24 =	simm.s32 @!p0 $0x0;
	s6 =	sadd.s32 @!p0 s2, s6;
	[sflag:s16] =	ssyncadd.s32 $0xFFFF9000  }
0x76: {  	[tilespmem:s24], [sflag:$0x1] =	stream.linear.gather @!p0 [hbm4b:s6+s24], $0x7000, $0x38;
	[tilespmem:$0x1C000] =	vst v63  }
0x77: {  	_ =	swait.ge [sflag:s17], $0x7000  }
0x78: {  	[sflag:s17] =	ssyncset.done $0x0  }
0x79: {  	s1 =	sadd.s32 $0x1C00, s1;
	[sflag:s17] =	ssyncadd.s32 $0xFFFF9000  }
0x7a: {  	[hbm4b:s1+s4] =	stream.linear.scatter [tilespmem:s12], [sflag:$0x7], $0x7000, $0x38;
	[tilespmem:$0x1C000] =	vst v63  }
0x7b: {  	s0 =	sadd.s32 @!p0 $0x51D000, s0;
	_ =	swait.ge [sflag:s18], $0x7000  }
0x7c: {  	s0 =	sshrl.u32 @!p0 s0, $0x3;
	[sflag:s18] =	ssyncset.done $0x0  }
0x7d: {  	s0 =	sadd.s32 @!p0 s2, s0;
	s1 =	simm.s32 @!p0 $0x7000;
	[sflag:s18] =	ssyncadd.s32 $0xFFFF9000  }
0x7e: {  	[tilespmem:s1], [sflag:$0x2] =	stream.linear.gather @!p0 [hbm4b:s0+s24], $0x7000, $0x38;
	[tilespmem:$0x1C000] =	vst v63  }
0x7f: {  	_ =	swait.ge [sflag:s19], $0x7000  }
0x80: {  	s31 =	rddreg [dreg:$0x5];
	[sflag:s19] =	ssyncset.done $0x0  }
0x81: {  	s22 =	sadd.s32 $0x1, s22;
	[sflag:s19] =	ssyncadd.s32 $0xFFFF9000;
	s0 =	sadd.s32 s23, s31  }
0x82: {  	[hbm4b:s0+s4] =	stream.linear.scatter [tilespmem:s14], [sflag:$0x8], $0x7000, $0x38;
	[tilespmem:$0x1C000] =	vst v63  }
0x83: {  	p0 =	sne.s32 s22, s7;
	_ =	swait.ge [sflag:s20], $0x7000  }
.Ltmp1:
0x84: {  	[sflag:s20] =	ssyncset.done $0x0;
	(pc) =	sbr.rel @p0 .LBB2_1-.Ltmp1, $4  }
0x85: {  	[sflag:s20] =	ssyncadd.s32 $0xFFFF9000  }
0x86: {  	_ =	swait.ge [sflag:s21], $0x7000  }
0x87: {  	[sflag:s21] =	ssyncset.done $0x0  }
0x88: {  	[sflag:s21] =	ssyncadd.s32 $0xFFFF9000  }
0x89: {  	_ =	sfence.sel $0x180000  }
0x8a: {  	[bflag:$0x0] =	sbarrier.arrive $0xFFFF  }
0x8b: {  	_ =	strace $0x9000004A  }
0x8c: {  	s0 =	stileid.u32;
	[bflag:$0x2] =	sbarrier.arrive $0xFFFF  }
0x8d: {  	p0 =	sne.s32 s0, $0x0;
	s0 =	rddreg [dreg:$0x2]  }
0x8e: {  	s0 =	sadd.s32 @!p0 $0x100000, s0  }
0x8f: {  	[sflag:s0] =	ssyncadd.tile.s32 @!p0 $0x1;
	_ =	shalt  }
.Lfunc_end2:
_tile_overlayer_lowered:
.L_overlay_start_2:
0x90: {  	(tag) =	ssettag $0x2  }
0x91: {  	s0 =	rddreg [dreg:$0x0];
	s2 =	stileid.u32  }
0x92: {  	s1 =	rddreg [dreg:$0x1];
	p0 =	sne.s32 s2, $0x0  }
0x93: {  	s3 =	rddreg [dreg:$0x2];
	[bflag:$0x3] =	sbarrier.arrive $0xFFFF;
	s2 =	simm.s32 @!p0 $0x1C09  }
0x94: {  	[timem:s3], [sflag:s2] =	dma.local @!p0 [hbm:s0], s1  }
0x95: {  	s0 =	simm.s32 @!p0 $0x9  }
0x96: {  	_ =	swait.ge @!p0 [sflag:s0], s1  }
0x97: {  	s1 =	ssub.s32 @!p0 $0x0, s1;
	[sflag:s0] =	ssyncset.done @!p0 $0x0  }
0x98: {  	[sflag:s0] =	ssyncadd.s32 @!p0 s1  }
0x99: {  	[bflag:$0x3] =	sbarrier.arrive $0xFFFF  }
0x9a: {  	_ =	shalt  }

// kernel: sparse-core-data-format-call.cloned.1.call-start
scs
called_computation_lowered:
.L_overlay_start_0:
0x0: {  	s2 =	sld [smem:$0x3FD9]  }
0x1: {  	s3 =	sld [smem:$0x3FFE];
	_ =	sdelay $0x1  }
0x2: {  	s1 =	srdreg.scid  }
0x3: {  	s0 =	sand.u32 $0x1, s1  }
0x4: {  	s18 =	sshll.u32 s0, $0xA;
	s2 =	sadd.s32 s3, s2  }
0x5: {  	s2 =	sadd.s32 s2, s18  }
0x6: {  	[smem:$0x3FC6] =	sst s2  }
0x7: {  	_ = 	snop  }
0x8: {  	s2 =	sld [smem:$0x3FD0];
	(tm) =	ssettm $0x1  }
0x9: {  	s19 =	sld [smem:$0x3FFB];
	_ =	sdelay $0x3  }
0xa: {  	_ =	strace s19  }
0xb: {  	s3 =	sld [smem:$0x3FFC];
	_ =	sdelay $0x3  }
0xc: {  	_ =	strace s3  }
0xd: {  	s3 =	sld [smem:$0x3FFD];
	_ =	sdelay $0x3  }
0xe: {  	_ =	strace s3  }
0xf: {  	_ =	strace $0x8FFFFFFF  }
0x10: {  	s20 =	sld [smem:$0x3FDB];
	_ =	sdelay $0x1  }
0x11: {  	s4 =	simm.s32 $_scs_section_size  }
0x12: {  	s5 =	simm.s32 $_size__tile_overlayer_lowered;
	s6 =	simm.s32 $_tile_overlayer_lowered  }
0x13: {  	s23 =	simm.s32 $0x1BFF;
	s22 =	sshll.u32 s6, $0x1;
	s3 =	sadd.s32 s4, s20  }
0x14: {  	s7 =	simm.s32 $0x0;
	s21 =	sshll.u32 s5, $0x1;
	s5 =	sadd.s32 s22, s3  }
0x15: {  	[timem:s7], [sflag:s23] =	dma.local [hbm:s5], s21  }
0x16: {  	_ =	swait.ge [sflag:s23], s21  }
0x17: {  	s4 =	ssub.s32 $0x0, s21;
	[sflag:s23] =	ssyncset.done $0x0  }
0x18: {  	[sflag:s23] =	ssyncadd.s32 s4;
	_ =	sdelay $0x1  }
0x19: {  	s24 =	simm.s32 $0x1B8B  }
0x1a: {  	_ =	swait.ge [sflag:s24], $0x1  }
0x1b: {  	[sflag:s24] =	ssyncset.done $0x0  }
0x1c: {  	s26 =	simm.s32 $0x1B8E;
	s25 =	sld [smem:$0x3FFE];
	[sflag:s24] =	ssyncadd.s32 $0xFFFFFFFF  }
0x1d: {  	s27 =	simm.s32 $execute0_lowered;
	[smem:$0x3FD2] =	sst s26  }
0x1e: {  	s5 =	sshll.u32 s27, $0x1;
	_ =	strace $0x80000046;
	[dreg:$0x1] =	wrdreg $0xFFFFFFFF  }
0x1f: {  	s28 =	simm.s32 $_size_execute0_lowered;
	s3 =	sadd.s32 s3, s5;
	[dreg:$0x0] =	wrdreg $0x0  }
0x20: {  	s5 =	sshll.u32 s28, $0x1;
	[dreg:$0x2] =	wrdreg s3  }
0x21: {  	[dreg:$0x3] =	wrdreg s5  }
0x22: {  	[dreg:$0x4] =	wrdreg $0xC0  }
0x23: {  	_ =	task [dreg:s7], $0x5FFFF  }
0x24: {  	[dreg:$0x1] =	wrdreg $0xFFFFFFFF  }
0x25: {  	[dreg:$0x0] =	wrdreg $0x60  }
0x26: {  	[dreg:$0x2] =	wrdreg s25  }
0x27: {  	[dreg:$0x3] =	wrdreg s2  }
0x28: {  	[dreg:$0x4] =	wrdreg $0x9  }
0x29: {  	_ =	task.clear_ibuf [dreg:s7], $0x5FFFF;
	_ =	strace $0x90000046  }
0x2a: {  	s29 =	simm.s32 $0x9;
	_ =	strace $0x80000048  }
0x2b: {  	_ =	swait.ge [sflag:s29], $0x1  }
0x2c: {  	[sflag:s29] =	ssyncadd.s32 $0xFFFFFFFF  }
0x2d: {  	_ =	strace $0x90000048  }
0x2e: {  	_ =	sfence  }
0x2f: {  	s30 =	sld [smem:$0x0];
	_ =	sdelay $0x2  }
0x30: {  	s31 =	sshll.u32 s1, $0xD;
	s1 =	sshrl.u32 s1, $0x2  }
0x31: {  	s3 =	sand.u32 $0x4000, s31;
	s1 =	sadd.s32 s1, s30  }
0x32: {  	s0 =	sor.u32 s3, s0;
	s1 =	sshll.u32 s1, $0x11  }
0x33: {  	s0 =	sor.u32 s1, s0  }
0x34: {  	s0 =	sadd.s32 $0x8F2B, s0  }
0x35: {  	[sflag:s0] =	ssyncadd.remote.s32 $0x1  }
0x36: {  	_ =	sfence.sel $0xFFFF  }
0x37: {  	[dreg:$0x0] =	wrdreg $0xFFFFFFFF;
	(pc) =	sbr.abs _section_cstart, $3  }
0x38: {  	[dreg:$0x1] =	wrdreg $0xFFFFFFFF  }
0x39: {  	_ =	task.clear_ibuf [dreg:s7], $0x2FFFF;
	_ =	strace $0x9FFFFFFF  }
0x3a: {  	(tm) =	ssettm $0x7FFFFFFF  }
0x3b: {  	_ =	shalt  }
tec
execute0_lowered:
.L_overlay_start_1:
0x0: {  	(tag) =	ssettag $0x1  }
0x1: {  	s0 =	rddreg [dreg:$0x0]  }
0x2: {  	s1 =	srdreg.scid;
	_ =	strace $0x80000047;
	s30 =	stileid.u32  }
0x3: {  	s2 =	simm.s32 $0x1;
	s31 =	simm.s32 $0x2;
	s12 =	simm.s32 $0x0  }
.Ltmp0:
0x4: {  	s3 =	simm.s32 $0x0;
	s14 =	simm.s32 $0x0;
	(pc) =	sbr.rel .LBB1_1-.Ltmp0, $4  }
0x5: {  	s9 =	simm.s32 $0x0;
	s10 =	simm.s32 $0x0;
	s29 =	sshll.u32 s1, $0x4  }
0x6: {  	s8 =	simm.s32 $0x0;
	s5 =	sadd.s32 $0xF01400, s0;
	s0 =	sand.u32 $0x10, s29  }
0x7: {  	[sflag:s2] =	ssyncpa.u1 $0x0;
	[dreg:$0xd] =	wrdreg s5;
	s6 =	sor.u32 s30, s0  }
0x8: {  	[sflag:s31] =	ssyncpa.u1 $0x0;
	s11 =	smov.u32 s6;
	[dreg:$0xe] =	wrdreg s6  }
.LBB1_7:
0x9: {  	s0 =	sadd.s32 $0x20, s9  }
0xa: {  	s1 =	sadd.s32 $0x2, s10;
	s2 =	smov.u32 s10;
	p1 =	sgt.s32 s0, $0xDF  }
0xb: {  	s2 =	smov.u32 @p1 s1  }
0xc: {  	s3 =	sadd.s32 $0x20, s11;
	s4 =	smov.u32 s11;
	p2 =	sgt.s32 s2, $0xF  }
0xd: {  	p0 =	slt.u32 s8, $0x2;
	s4 =	smov.u32 @p2 s3  }
0xe: {  	s8 =	sadd.s32 $0x1, s8;
	s0 =	simm.s32 @p1 $0x0;
	p1 =	sgt.s32 s4, $0x5F  }
0xf: {  	s4 =	smov.u32 @p1 s6;
	p1 =	sne.s32 s8, $0xAA  }
.Ltmp1:
0x10: {  	_ = 	snop;
	(pc) =	sbr.rel @!p1 .LBB1_8-.Ltmp1, $4  }
0x11: {  	s12 =	smov.u32 s9;
	s1 =	simm.s32 @!p0 $0x2  }
0x12: {  	s14 =	smov.u32 s11;
	_ =	swait.ge @!p0 [sflag:s1], $0x4000;
	s9 =	smov.u32 s0  }
0x13: {  	s2 =	simm.s32 @p2 $0x0;
	[sflag:s1] =	ssyncset.done @!p0 $0x0;
	s3 =	smov.u32 s10  }
0x14: {  	[sflag:s1] =	ssyncadd.s32 @!p0 $0xFFFFC000;
	s10 =	smov.u32 s2;
	s11 =	smov.u32 s4  }
.LBB1_1:
0x15: {  	p0 =	sgt.u32 s8, $0xA7  }
0x16: {  	s0 =	sshll.u32 @!p0 s9, $0x8;
	s1 =	sshll.u32 @!p0 s9, $0x7  }
0x17: {  	s0 =	sand.u32 @!p0 $0xFFFFF800, s0;
	s1 =	sand.u32 @!p0 $0x300, s1  }
0x18: {  	s0 =	sor.u32 @!p0 s1, s0  }
0x19: {  	s0 =	sshrl.u32 @!p0 s0, $0x8  }
0x1a: {  	s1 =	smulhi.u32 @!p0 $0x124924A, s0  }
0x1b: {  	s2 =	smul.u32 @!p0 $0x1C000, s11  }
0x1c: {  	s1 =	smul.u32 @!p0 $0xE0, s1  }
0x1d: {  	s15 =	sxor.u32 @!p0 $0xFFFFFFFF, s8;
	s16 =	smul.u32 @!p0 $0x1C00, s10  }
0x1e: {  	s2 =	sadd.s32 @!p0 s5, s2;
	s0 =	ssub.s32 @!p0 s0, s1;
	s1 =	sshll.u32 @!p0 s9, $0x4  }
0x1f: {  	s15 =	sshll.u32 @!p0 s15, $0xE;
	s2 =	sadd.s32 @!p0 s16, s2;
	s1 =	sand.u32 @!p0 $0x10, s1  }
0x20: {  	s15 =	sand.u32 @!p0 $0x4000, s15;
	s0 =	sshll.u32 @!p0 s0, $0x5;
	s1 =	sadd.s32 @!p0 s1, s2  }
0x21: {  	s2 =	simm.s32 @!p0 $0xE000;
	s0 =	sadd.s32 @!p0 s0, s1;
	s1 =	simm.s32 @!p0 $0x2000  }
0x22: {  	[tilespmem:s15], [sflag:$0x1] =	stream.strided.gather @!p0 [hbm4b:s0+s1], $0x4000, s2, s1, $0x38;
	[tilespmem:$0x10000] =	vst v63  }
0x23: {  	p0 =	seq.s32 s8, $0x0  }
0x24: {  	p1 =	seq.s32 @!p0 s8, $0xA9  }
0x25: {  	p0 =	por p0, p1  }
.Ltmp2:
0x26: {  	_ = 	snop;
	(pc) =	sbr.rel @p0 .LBB1_7-.Ltmp2, $1  }
0x27: {  	_ =	sdelay $0x3  }
0x28: {  	s0 =	sshll.u32 s8, $0xE  }
0x29: {  	s0 =	sand.u32 $0x4000, s0  }
0x2a: {  	s31 =	sor.u32 $0x8000, s0  }
0x2b: {  	[dreg:$0xf] =	wrdreg s3;
	s1 =	simm.s32 $0x1;
	v0 =	vmov s0;
	v1 =	vmov s31  }
0x2c: {  	_ =	swait.ge [sflag:s1], $0x4000  }
0x2d: {  	s16 =	simm.s32 $0x0;
	p1 =	por $0x1, $0x1;
	[sflag:s1] =	ssyncset.done $0x0  }
0x2e: {  	s17 =	simm.s32 $0x0;
	[sflag:s1] =	ssyncadd.s32 $0xFFFFC000;
	[dreg:$0x10] =	wrdreg s31  }
.LBB1_3:
0x2f: {  	s0 =	sor.u32 $0x10, s17  }
0x30: {  	s26 =	sor.u32 $0x20, s17;
	[dreg:$0x3] =	wrdreg s0  }
0x31: {  	s31 =	sor.u32 $0x30, s17;
	[dreg:$0x4] =	wrdreg s26  }
0x32: {  	s1 =	sor.u32 $0x40, s17;
	[dreg:$0x5] =	wrdreg s31  }
0x33: {  	s2 =	sor.u32 $0x50, s17;
	[dreg:$0x6] =	wrdreg s1  }
0x34: {  	s3 =	sor.u32 $0x60, s17;
	[dreg:$0x7] =	wrdreg s2  }
0x35: {  	s4 =	sor.u32 $0x70, s17;
	s5 =	sor.u32 $0x410, s17;
	[dreg:$0x8] =	wrdreg s3  }
0x36: {  	s6 =	sor.u32 $0x420, s17;
	s7 =	sor.u32 $0x430, s17;
	[dreg:$0x9] =	wrdreg s4  }
0x37: {  	s18 =	sor.u32 $0x440, s17;
	s13 =	sand.u32 $0x1800, s16;
	[dreg:$0xa] =	wrdreg s5  }
0x38: {  	s23 =	sand.u32 $0x80, s16;
	[dreg:$0xb] =	wrdreg s6;
	s1 =	sand.u32 $0x380, s16  }
0x39: {  	[dreg:$0xc] =	wrdreg s7;
	s19 =	sor.u32 s17, s23;
	s0 =	sor.u32 s1, s13  }
0x3a: {  	s2 =	rddreg [dreg:$0x4];
	s25 =	sand.u32 $0x1B00, s0;
	s22 =	sor.u32 s18, s0  }
0x3b: {  	s20 =	sor.u32 $0x460, s17;
	s15 =	rddreg [dreg:$0xc];
	s24 =	sor.u32 s25, s19;
	v2 =	vld.idx.msk [tilespmem:v0+s22+$0x0 ss:$0x1], $0xffff  }
0x3c: {  	s26 =	rddreg [dreg:$0x6];
	s6 =	sor.u32 s20, s0;
	s19 =	sor.u32 $0x450, s17;
	v3 =	vld.idx.msk [tilespmem:v0+s24+$0x0 ss:$0x1], $0xffff  }
0x3d: {  	s21 =	sor.u32 $0x470, s17;
	s27 =	rddreg [dreg:$0x8];
	v5 =	vld.idx.msk [tilespmem:v0+s6+$0x0 ss:$0x1], $0xffff;
	s30 =	sor.u32 s19, s0  }
0x3e: {  	s28 =	rddreg [dreg:$0xb];
	s4 =	sor.u32 s21, s0;
	v4 =	vld.idx.msk [tilespmem:v0+s30+$0x0 ss:$0x1], $0xffff  }
0x3f: {  	s31 =	rddreg [dreg:$0x5];
	s3 =	sor.u32 s15, s0;
	v6 =	vld.idx.msk [tilespmem:v0+s4+$0x0 ss:$0x1], $0xffff  }
0x40: {  	s7 =	rddreg [dreg:$0x9];
	v7 =	vld.idx.msk [tilespmem:v0+s3+$0x0 ss:$0x1], $0xffff;
	s5 =	sor.u32 $0x400, s24;
	[tilespmem:v1+s22+$0x0 ss:$0x1] =	vst.idx.msk $0xffff, v2  }
0x41: {  	s29 =	sor.u32 s28, s0;
	v8 =	vld.idx.msk [tilespmem:v0+s5+$0x0 ss:$0x1], $0xffff;
	s22 =	sor.u32 s2, s23;
	[tilespmem:v1+s24+$0x0 ss:$0x1] =	vst.idx.msk $0xffff, v3  }
0x42: {  	v2 =	vld.idx.msk [tilespmem:v0+s29+$0x0 ss:$0x1], $0xffff;
	s15 =	sor.u32 s25, s22;
	s24 =	sor.u32 s27, s23;
	s2 =	rddreg [dreg:$0xa]  }
0x43: {  	s13 =	sor.u32 s26, s23;
	s1 =	rddreg [dreg:$0x7];
	v9 =	vld.idx.msk [tilespmem:v0+s15+$0x0 ss:$0x1], $0xffff;
	[tilespmem:v1+s30+$0x0 ss:$0x1] =	vst.idx.msk $0xffff, v4;
	s28 =	sor.u32 s25, s24  }
0x44: {  	s24 =	sor.u32 s25, s13;
	s26 =	rddreg [dreg:$0x3];
	v3 =	vld.idx.msk [tilespmem:v0+s28+$0x0 ss:$0x1], $0xffff;
	[tilespmem:v1+s6+$0x0 ss:$0x1] =	vst.idx.msk $0xffff, v5  }
0x45: {  	p0 =	por p1, p1;
	s13 =	sor.u32 s7, s23;
	v4 =	vld.idx.msk [tilespmem:v0+s24+$0x0 ss:$0x1], $0xffff;
	s30 =	sor.u32 s2, s0;
	[tilespmem:v1+s4+$0x0 ss:$0x1] =	vst.idx.msk $0xffff, v6  }
0x46: {  	s22 =	simm.s32 $0x100;
	s7 =	sor.u32 s1, s23;
	s1 =	sor.u32 s25, s13;
	[tilespmem:v1+s3+$0x0 ss:$0x1] =	vst.idx.msk $0xffff, v7;
	v5 =	vld.idx.msk [tilespmem:v0+s30+$0x0 ss:$0x1], $0xffff  }
0x47: {  	s13 =	sor.u32 s31, s23;
	[tilespmem:v1+s5+$0x0 ss:$0x1] =	vst.idx.msk $0xffff, v8;
	s31 =	sor.u32 s26, s23;
	s2 =	sor.u32 s25, s7;
	v6 =	vld.idx.msk [tilespmem:v0+s1+$0x0 ss:$0x1], $0xffff  }
0x48: {  	s27 =	sor.u32 s25, s13;
	s23 =	simm.s32 $0x80;
	s0 =	sor.u32 s25, s31;
	v7 =	vld.idx.msk [tilespmem:v0+s2+$0x0 ss:$0x1], $0xffff;
	[tilespmem:v1+s15+$0x0 ss:$0x1] =	vst.idx.msk $0xffff, v9  }
.LBB1_4:
0x49: {  	s3 =	sand.u32 $0x1800, s22;
	s4 =	sand.u32 $0x380, s23  }
0x4a: {  	v8 =	vld.idx.msk [tilespmem:v0+s27+$0x0 ss:$0x1], $0xffff;
	s25 =	sand.u32 $0x80, s23;
	s31 =	sor.u32 s4, s3;
	[tilespmem:v1+s29+$0x0 ss:$0x1] =	vst.idx.msk $0xffff, v2  }
0x4b: {  	s7 =	sor.u32 s17, s25;
	s26 =	sand.u32 $0x1B00, s31;
	s6 =	sor.u32 s18, s31;
	v2 =	vld.idx.msk [tilespmem:v0+s0+$0x0 ss:$0x1], $0xffff;
	[tilespmem:v1+s28+$0x0 ss:$0x1] =	vst.idx.msk $0xffff, v3  }
0x4c: {  	s13 =	rddreg [dreg:$0xc];
	s4 =	sor.u32 s26, s7;
	[tilespmem:v1+s24+$0x0 ss:$0x1] =	vst.idx.msk $0xffff, v4;
	v3 =	vld.idx.msk [tilespmem:v0+s6+$0x0 ss:$0x1], $0xffff  }
0x4d: {  	s5 =	rddreg [dreg:$0x4];
	s3 =	sor.u32 s13, s31;
	s13 =	sor.u32 s20, s31;
	[tilespmem:v1+s30+$0x0 ss:$0x1] =	vst.idx.msk $0xffff, v5;
	v4 =	vld.idx.msk [tilespmem:v0+s4+$0x0 ss:$0x1], $0xffff  }
0x4e: {  	s5 =	sor.u32 s5, s25;
	s7 =	sor.u32 s21, s31;
	[tilespmem:v1+s1+$0x0 ss:$0x1] =	vst.idx.msk $0xffff, v6;
	v6 =	vld.idx.msk [tilespmem:v0+s13+$0x0 ss:$0x1], $0xffff  }
0x4f: {  	s5 =	sor.u32 s26, s5;
	[tilespmem:v1+s2+$0x0 ss:$0x1] =	vst.idx.msk $0xffff, v7;
	v7 =	vld.idx.msk [tilespmem:v0+s7+$0x0 ss:$0x1], $0xffff  }
0x50: {  	s30 =	sor.u32 s19, s31;
	s1 =	rddreg [dreg:$0x6];
	v10 =	vld.idx.msk [tilespmem:v0+s5+$0x0 ss:$0x1], $0xffff;
	[tilespmem:v1+s27+$0x0 ss:$0x1] =	vst.idx.msk $0xffff, v8  }
0x51: {  	p1 =	sne.s32 s22, $0x1F00;
	s2 =	rddreg [dreg:$0x8];
	v5 =	vld.idx.msk [tilespmem:v0+s30+$0x0 ss:$0x1], $0xffff;
	[tilespmem:v1+s0+$0x0 ss:$0x1] =	vst.idx.msk $0xffff, v2  }
0x52: {  	s15 =	sor.u32 $0x400, s4;
	s24 =	rddreg [dreg:$0xb];
	s1 =	sor.u32 s1, s25;
	v8 =	vld.idx.msk [tilespmem:v0+s3+$0x0 ss:$0x1], $0xffff;
	[tilespmem:v1+s6+$0x0 ss:$0x1] =	vst.idx.msk $0xffff, v3  }
0x53: {  	s2 =	sor.u32 s2, s25;
	s27 =	rddreg [dreg:$0x9];
	v9 =	vld.idx.msk [tilespmem:v0+s15+$0x0 ss:$0x1], $0xffff;
	s29 =	sor.u32 s24, s31;
	[tilespmem:v1+s4+$0x0 ss:$0x1] =	vst.idx.msk $0xffff, v4  }
0x54: {  	s24 =	sor.u32 s26, s1;
	s1 =	rddreg [dreg:$0x7];
	s28 =	sor.u32 s26, s2;
	v2 =	vld.idx.msk [tilespmem:v0+s29+$0x0 ss:$0x1], $0xffff;
	[tilespmem:v1+s13+$0x0 ss:$0x1] =	vst.idx.msk $0xffff, v6  }
.Ltmp3:
0x55: {  	s22 =	sadd.s32 $0x100, s22;
	s4 =	rddreg [dreg:$0xa];
	v3 =	vld.idx.msk [tilespmem:v0+s28+$0x0 ss:$0x1], $0xffff;
	[tilespmem:v1+s7+$0x0 ss:$0x1] =	vst.idx.msk $0xffff, v7;
	(pc) =	sbr.rel @p1 .LBB1_4-.Ltmp3, $4  }
0x56: {  	s2 =	rddreg [dreg:$0x3];
	s6 =	sor.u32 s27, s25;
	v4 =	vld.idx.msk [tilespmem:v0+s24+$0x0 ss:$0x1], $0xffff;
	[tilespmem:v1+s30+$0x0 ss:$0x1] =	vst.idx.msk $0xffff, v5;
	s30 =	sor.u32 s4, s31  }
0x57: {  	s0 =	rddreg [dreg:$0x5];
	s13 =	sor.u32 s1, s25;
	[tilespmem:v1+s5+$0x0 ss:$0x1] =	vst.idx.msk $0xffff, v10;
	s1 =	sor.u32 s26, s6;
	v5 =	vld.idx.msk [tilespmem:v0+s30+$0x0 ss:$0x1], $0xffff  }
0x58: {  	s0 =	sor.u32 s0, s25;
	[tilespmem:v1+s3+$0x0 ss:$0x1] =	vst.idx.msk $0xffff, v8;
	s31 =	sor.u32 s2, s25;
	s2 =	sor.u32 s26, s13;
	v6 =	vld.idx.msk [tilespmem:v0+s1+$0x0 ss:$0x1], $0xffff  }
0x59: {  	s23 =	sadd.s32 $0x80, s23;
	[tilespmem:v1+s15+$0x0 ss:$0x1] =	vst.idx.msk $0xffff, v9;
	s27 =	sor.u32 s26, s0;
	s0 =	sor.u32 s26, s31;
	v7 =	vld.idx.msk [tilespmem:v0+s2+$0x0 ss:$0x1], $0xffff  }
0x5a: {  	_ =	sdelay $0x3  }
0x5b: {  	[tilespmem:v1+s29+$0x0 ss:$0x1] =	vst.idx.msk $0xffff, v2  }
0x5c: {  	v2 =	vld.idx.msk [tilespmem:v0+s27+$0x0 ss:$0x1], $0xffff;
	[tilespmem:v1+s28+$0x0 ss:$0x1] =	vst.idx.msk $0xffff, v3  }
0x5d: {  	v3 =	vld.idx.msk [tilespmem:v0+s0+$0x0 ss:$0x1], $0xffff;
	[tilespmem:v1+s24+$0x0 ss:$0x1] =	vst.idx.msk $0xffff, v4  }
.Ltmp4:
0x5e: {  	[tilespmem:v1+s30+$0x0 ss:$0x1] =	vst.idx.msk $0xffff, v5;
	(pc) =	sbr.rel @p0 .LBB1_3-.Ltmp4, $4  }
0x5f: {  	[tilespmem:v1+s1+$0x0 ss:$0x1] =	vst.idx.msk $0xffff, v6  }
0x60: {  	[tilespmem:v1+s2+$0x0 ss:$0x1] =	vst.idx.msk $0xffff, v7  }
0x61: {  	[tilespmem:v1+s27+$0x0 ss:$0x1] =	vst.idx.msk $0xffff, v2  }
0x62: {  	s17 =	simm.s32 $0x2000;
	p1 =	por $0x0, $0x0;
	[tilespmem:v1+s0+$0x0 ss:$0x1] =	vst.idx.msk $0xffff, v3  }
0x63: {  	s0 =	sshll.u32 s12, $0x8;
	s1 =	sshll.u32 s12, $0x7  }
0x64: {  	s0 =	sand.u32 $0xFFFFF800, s0;
	s1 =	sand.u32 $0x300, s1  }
0x65: {  	s0 =	sor.u32 s1, s0  }
0x66: {  	s2 =	smul.u32 $0x1C00, s14;
	s0 =	sshrl.u32 s0, $0x8  }
0x67: {  	s3 =	rddreg [dreg:$0xf];
	s27 =	smulhi.u32 $0x124924A, s0  }
0x68: {  	s4 =	sshll.u32 s12, $0x4;
	s3 =	smul.u32 $0xA8000, s3  }
0x69: {  	s5 =	rddreg [dreg:$0x1];
	s29 =	simm.s32 $0x2000;
	s1 =	smul.u32 $0xE0, s27  }
.Ltmp5:
0x6a: {  	s31 =	rddreg [dreg:$0x10];
	s2 =	sadd.s32 s5, s2;
	(pc) =	sbr.rel .LBB1_7-.Ltmp5, $4  }
0x6b: {  	s28 =	sand.u32 $0x10, s4;
	s2 =	sadd.s32 s3, s2;
	s0 =	ssub.s32 s0, s1  }
0x6c: {  	s6 =	rddreg [dreg:$0xe];
	s1 =	sadd.s32 s28, s2;
	s0 =	sshll.u32 s0, $0x5  }
0x6d: {  	s30 =	simm.s32 $0x540000;
	s5 =	rddreg [dreg:$0xd];
	s0 =	sadd.s32 s0, s1  }
0x6e: {  	[hbm4b:s0+s29] =	stream.strided.scatter [tilespmem:s31], [sflag:$0x2], $0x4000, s30, s29, $0x38;
	[tilespmem:$0x10000] =	vst v63  }
.LBB1_8:
0x6f: {  	_ =	sfence.sel $0x180000  }
0x70: {  	s0 =	simm.s32 $0x1;
	[bflag:$0x0] =	sbarrier.arrive $0xFFFF  }
0x71: {  	s30 =	simm.s32 $0x2;
	[sflag:s0] =	ssyncpa.u1 $0x1  }
0x72: {  	[sflag:s30] =	ssyncpa.u1 $0x1  }
0x73: {  	_ =	strace $0x90000047  }
0x74: {  	s31 =	stileid.u32;
	[bflag:$0x2] =	sbarrier.arrive $0xFFFF  }
0x75: {  	p0 =	sne.s32 s31, $0x0;
	s0 =	rddreg [dreg:$0x2]  }
0x76: {  	s0 =	sadd.s32 @!p0 $0x100000, s0  }
0x77: {  	[sflag:s0] =	ssyncadd.tile.s32 @!p0 $0x1;
	_ =	shalt  }
.Lfunc_end1:
_tile_overlayer_lowered:
.L_overlay_start_2:
0x78: {  	(tag) =	ssettag $0x2  }
0x79: {  	s0 =	rddreg [dreg:$0x0];
	s2 =	stileid.u32  }
0x7a: {  	s1 =	rddreg [dreg:$0x1];
	p0 =	sne.s32 s2, $0x0  }
0x7b: {  	s3 =	rddreg [dreg:$0x2];
	[bflag:$0x3] =	sbarrier.arrive $0xFFFF;
	s2 =	simm.s32 @!p0 $0x1C01  }
0x7c: {  	[timem:s3], [sflag:s2] =	dma.local @!p0 [hbm:s0], s1  }
0x7d: {  	s0 =	simm.s32 @!p0 $0x1  }
0x7e: {  	_ =	swait.ge @!p0 [sflag:s0], s1  }
0x7f: {  	s1 =	ssub.s32 @!p0 $0x0, s1;
	[sflag:s0] =	ssyncset.done @!p0 $0x0  }
0x80: {  	[sflag:s0] =	ssyncadd.s32 @!p0 s1  }
0x81: {  	[bflag:$0x3] =	sbarrier.arrive $0xFFFF  }
0x82: {  	_ =	shalt  }

</sc_bundles>
